<compile_context>
chip_gen: v7x
topology: tpu7x:2x2x1
jax: 0.10.2.dev20260603
libtpu: 0.0.44.dev20260713+nightly
codegen_flags: <defaults>
</compile_context>

<pallas_src>
import functools

import jax
import jax.numpy as jnp
from jax import lax
from jax.experimental import pallas as pl
from jax.experimental.pallas import tpu as pltpu
from jax.experimental.pallas import tpu_sc as plsc

B, C, N = 32, 128, 64
S, M, K = 32, 32, 1
P = N * N
T, MARG, NEG_IOU, WEIGHT = 0.1, 0.0, 0.5, 1.0
LANES = 16


def _sc_argmax(iou2ds_f):
    mesh = plsc.VectorSubcoreMesh(core_axis_name="c", subcore_axis_name="s")

    @functools.partial(
        pl.kernel,
        mesh=mesh,
        out_type=jax.ShapeDtypeStruct((M, LANES), jnp.int32),
        scratch_types=[
            pltpu.VMEM((P,), jnp.float32),
            pltpu.VMEM((LANES,), jnp.int32),
        ],
    )
    def k(iou_hbm, out_hbm, iou_v, idx_v):
        m = lax.axis_index("s") * 2 + lax.axis_index("c")
        pltpu.sync_copy(iou_hbm.at[m], iou_v)
        lanes = lax.iota(jnp.int32, LANES)

        def step(i, carry):
            mv, mi = carry
            v = iou_v[pl.ds(i * LANES, LANES)]
            idxs = lanes + i * LANES
            upd = v > mv
            return jnp.where(upd, v, mv), jnp.where(upd, idxs, mi)

        mv, mi = lax.fori_loop(
            0, P // LANES, step,
            (jnp.full((LANES,), -jnp.inf, jnp.float32),
             jnp.zeros((LANES,), jnp.int32)),
        )

        dnums = lax.GatherDimensionNumbers(
            offset_dims=(), collapsed_slice_dims=(0,), start_index_map=(0,))

        def permute(x, perm):
            return lax.gather(
                x, perm[:, None], dnums, slice_sizes=(1,),
                mode=lax.GatherScatterMode.PROMISE_IN_BOUNDS)

        for shift in (8, 4, 2, 1):
            perm = jnp.bitwise_xor(lanes, shift)
            ov = permute(mv, perm)
            oi = permute(mi, perm)
            upd = (ov > mv) | ((ov == mv) & (oi < mi))
            mv = jnp.where(upd, ov, mv)
            mi = jnp.where(upd, oi, mi)

        idx_v[:] = mi
        pltpu.sync_copy(idx_v, out_hbm.at[m])

    return k(iou2ds_f)


def _tc_body(idx_sref, vblk_ref, vany_ref, iouT_ref, out_ref,
             npvfT_ref, tile_ref, acc_ref, corr_ref, pmask_ref, ip_ref,
             ones_ref, sem):
    b = pl.program_id(0)

    @pl.when(b == 0)
    def _prologue():
        acc_ref[:] = jnp.zeros_like(acc_ref)
        corr_ref[:] = jnp.zeros_like(corr_ref)
        ones_ref[:] = jnp.ones_like(ones_ref)
        pmask_ref[:] = jnp.where(iouT_ref[:] > NEG_IOU, 0.0, 1.0)

        def issue(m, _):
            r8 = pl.multiple_of((idx_sref[m, 0] // 8) * 8, 8)
            pltpu.make_async_copy(
                vany_ref.at[m, pl.ds(r8, 8), :],
                tile_ref.at[m],
                sem,
            ).start()
            return 0

        lax.fori_loop(0, M, issue, 0)

        def drain(m, _):
            pltpu.make_async_copy(
                vany_ref.at[0, pl.ds(0, 8), :],
                tile_ref.at[0],
                sem,
            ).wait()
            return 0

        lax.fori_loop(0, M, drain, 0)

        rows = []
        for m in range(M):
            j0 = idx_sref[m, 0] % 8
            msk = lax.broadcasted_iota(jnp.int32, (8, 1), 0) == j0
            rows.append(jnp.sum(jnp.where(msk, tile_ref[m], 0.0), axis=0))
        praw = jnp.stack(rows, axis=0)
        n2 = jnp.sum(praw * praw, axis=1, keepdims=True)
        npvf = praw / jnp.maximum(jnp.sqrt(n2), 1e-12)
        ip_ref[:] = jnp.sum(npvf * npvf, axis=1).reshape(1, M)
        npvfT_ref[:] = npvf.T * (1.0 / T)

    v = vblk_ref[0]
    rowsq = jnp.sum(v * v, axis=1, keepdims=True)
    inv = lax.rsqrt(jnp.maximum(rowsq, 1e-24))
    vn = v * inv
    st = jnp.dot(vn, npvfT_ref[:],
                 preferred_element_type=jnp.float32)
    e = jnp.exp(st)
    u = jnp.dot(ones_ref[:], e, preferred_element_type=jnp.float32)
    w = jnp.dot(ones_ref[:], e * pmask_ref[:],
                preferred_element_type=jnp.float32)
    acc_ref[:] += u
    lane_b = lax.broadcasted_iota(jnp.int32, (1, M), 1) == b
    corr_ref[:] += jnp.where(lane_b, u - w, 0.0)

    @pl.when(b == B - 1)
    def _final():
        neg = acc_ref[0] - corr_ref[0]
        ip = ip_ref[0]
        logits = (ip - MARG) / T
        total = jnp.exp(logits) + neg
        loss = -(logits - jnp.log(total))
        out_ref[:, :] = (jnp.mean(loss) * WEIGHT).reshape(1, 1)


def _tc_main(idx16, videoT, iou2dT, interpret=False):
    return pl.pallas_call(
        _tc_body,
        grid=(B,),
        in_specs=[
            pl.BlockSpec(memory_space=pltpu.MemorySpace.SMEM),
            pl.BlockSpec((1, P, C), lambda b: (b, 0, 0)),
            pl.BlockSpec(memory_space=pltpu.MemorySpace.HBM),
            pl.BlockSpec((P, S), lambda b: (0, 0)),
        ],
        out_specs=pl.BlockSpec((1, 1), lambda b: (0, 0)),
        out_shape=jax.ShapeDtypeStruct((1, 1), jnp.float32),
        scratch_shapes=[
            pltpu.VMEM((C, M), jnp.float32),
            pltpu.VMEM((M, 8, C), jnp.float32),
            pltpu.VMEM((1, M), jnp.float32),
            pltpu.VMEM((1, M), jnp.float32),
            pltpu.VMEM((P, S), jnp.float32),
            pltpu.VMEM((1, M), jnp.float32),
            pltpu.VMEM((1, P), jnp.float32),
            pltpu.SemaphoreType.DMA,
        ],
        interpret=interpret,
    )(idx16, videoT, videoT, iou2dT)


def kernel(video_feats, sents_feats, num_sentences, num_targets, iou2d,
           iou2ds, mask2d):
    videoT = video_feats.transpose(0, 2, 3, 1).reshape(B, P, C)
    iou2dT = iou2d.reshape(S, P).T
    idx16 = _sc_argmax(iou2ds.reshape(M, P))
    out = _tc_main(idx16, videoT, iou2dT)
    return out[0, 0]

# --- scband reference (transcript-rebuilt; emitter-appended) ---
"""Pipeline reference for scband-intra-contrastive-loss-23356032155978 (READ-ONLY COPY).

The authoritative reference and input builder live on the scoring server;
editing this copy changes nothing except your own understanding.
"""

import jax, jax.numpy as jnp
import numpy as np

B, C, N = 32, 128, 64
S, M, K = 32, 32, 1
T, MARG, NEG_IOU, WEIGHT = 0.1, 0.0, 0.5, 1.0


def setup_inputs(seed: int = 0):
    key = jax.random.key(seed)
    ks = jax.random.split(key, 4)
    return {
        "video_feats": jax.random.normal(ks[0], (B, C, N, N), dtype=jnp.float32),
        "sents_feats": jax.random.normal(ks[1], (S, C), dtype=jnp.float32),
        "num_sentences": jnp.ones((B,), dtype=jnp.int32),
        "num_targets": jnp.ones((S,), dtype=jnp.int32),
        "iou2d": jax.random.uniform(ks[2], (S, N, N), dtype=jnp.float32),
        "iou2ds": jax.random.uniform(ks[3], (M, N, N), dtype=jnp.float32),
        "mask2d": jnp.ones((N, N), dtype=bool),
    }


def _forward(video_feats, sents_feats, iou2d, iou2ds, num_sentences, num_targets, mask2d):
    maskflat = mask2d.reshape(-1)
    sel = jnp.nonzero(maskflat, size=N * N)[0]
    P = N * N
    scatter_s2v = jnp.repeat(jnp.arange(B), num_sentences, total_repeat_length=B)
    scatter_m2s = jnp.repeat(jnp.arange(S), num_targets, total_repeat_length=M)
    scatter_m2v = scatter_s2v[scatter_m2s]
    # masked_select + view -> gather selected proposals
    vf = jnp.take(video_feats.reshape(B, C, N * N), sel, axis=2)
    vf = jnp.transpose(vf, (0, 2, 1))  # [B, P, C]
    iou2d_f = jnp.take(iou2d.reshape(S, N * N), sel, axis=1)  # [S, P]
    iou2ds_f = jnp.take(iou2ds.reshape(M, N * N), sel, axis=1)  # [M, P]
    # F.normalize
    vf = vf / jnp.clip(jnp.linalg.norm(vf, axis=-1, keepdims=True), 1e-12)
    sf = sents_feats / jnp.clip(jnp.linalg.norm(sents_feats, axis=-1, keepdims=True), 1e-12)
    del sf  # normalized but unused downstream, matching original
    # build combinations per sentence
    shift = 0
    refs, poss, e2s = [], [], []
    nt_counts = np.ones(num_targets.shape[0], dtype=np.int64)
    for i in range(num_targets.shape[0]):
        num = int(nt_counts[i])
        if num > 0:
            nk = num * K
            gi, gj = np.meshgrid(np.arange(nk), np.arange(nk), indexing="ij")
            refs.append(gi.reshape(-1) + shift)
            poss.append(gj.reshape(-1) + shift)
            e2s.append(np.full(nk * nk, i, dtype=np.int64))
        shift += num * K
    ref_idx = np.concatenate(refs)
    pos_idx = np.concatenate(poss)
    scatter_e2s = np.concatenate(e2s)
    # top-K proposals per moment by iou2ds
    topk_idxs = jax.lax.top_k(iou2ds_f, K)[1]  # [M, K]
    allm = vf[scatter_m2v]  # [M, P, C]
    topk_vf = jnp.take_along_axis(allm, topk_idxs[:, :, None], axis=1)  # [M, K, C]
    pvf = topk_vf.reshape(M * K, C)
    intra_pos = jnp.sum(pvf[ref_idx] * pvf[pos_idx], axis=1)  # [E]
    intra_all = pvf @ vf.reshape(-1, C).T  # [M*K, B*P]
    # positive mask: same-video block, entries = (iou2d > neg_iou)
    eye_mask = jnp.eye(B, dtype=bool)[scatter_s2v]  # [S, B]
    s2v_pos = iou2d_f > NEG_IOU  # [S, P]
    pos_mask = eye_mask[:, :, None] & s2v_pos[:, None, :]  # [S, B, P]
    neg_mask = (~pos_mask.reshape(S, B * P))[scatter_e2s]  # [E, B*P]
    # LogCrossEntropy
    pos_exp = jnp.exp((intra_pos - MARG) / T)
    neg_exp_sum = jnp.sum(jnp.exp(intra_all[ref_idx] / T) * neg_mask, axis=-1)
    all_exp_sum = pos_exp + neg_exp_sum
    loss = -((intra_pos - MARG) / T - jnp.log(all_exp_sum))
    return jnp.mean(loss) * WEIGHT


def reference(video_feats, sents_feats, num_sentences, num_targets, iou2d, iou2ds, mask2d):
    return _forward(video_feats, sents_feats, iou2d, iou2ds, num_sentences, num_targets, mask2d)

if __name__ == "__main__":
    import jax
    _d = setup_inputs()
    print(jax.jit(kernel)(*tuple(_d.values())))

</pallas_src>

<mosaic_0001>
#map = affine_map<(d0, d1) -> (0, 0)>
module attributes {stable_mosaic.version = 14 : i64} {
  func.func @k(%arg0: i32, %arg1: i32, %arg2: memref<32x4096xf32, #tpu.memory_space<hbm>>, %arg3: memref<32x16xi32, #tpu.memory_space<hbm>>, %arg4: memref<4096xf32, #tpu.memory_space<vmem>>, %arg5: memref<16xi32, #tpu.memory_space<vmem>>) attributes {dimension_semantics = [#tpu.dimension_semantics<core_parallel>, #tpu.dimension_semantics<subcore_parallel>], iteration_bounds = array<i64: 2, 16>, scalar_prefetch = 0 : i64, scratch_operands = 2 : i64, tpu.core_type = #tpu.core_type<sc_vector_subcore>, window_params = [{transform_indices = #map}, {transform_indices = #map}]} {
    %mul3A = arith.constant 2 : i32
    %mul3A_0 = arith.muli %arg1, %mul3A : i32
    %add3A = arith.addi %mul3A_0, %arg0 : i32
    "tpu.region"() ({
      %run_scoped3A = tpu.sem_alloc : memref<!tpu.dma_semaphore, #tpu.memory_space<semaphore_mem>>
      %dma_start3A = arith.constant 0 : i32
      %dma_start3A_68 = tpu.memref_slice %arg2[%add3A, %dma_start3A] : memref<32x4096xf32, #tpu.memory_space<hbm>> -> memref<1x4096xf32, #tpu.memory_space<hbm>>
      %dma_start3A_69 = tpu.memref_squeeze %dma_start3A_68 : memref<1x4096xf32, #tpu.memory_space<hbm>> -> memref<4096xf32, #tpu.memory_space<hbm>>
      %dma_start3A_70 = arith.constant 0 : i32
      %dma_start3A_71 = tpu.memref_slice %arg2[%add3A, %dma_start3A_70] : memref<32x4096xf32, #tpu.memory_space<hbm>> -> memref<1x4096xf32, #tpu.memory_space<hbm>>
      %dma_start3A_72 = tpu.memref_squeeze %dma_start3A_71 : memref<1x4096xf32, #tpu.memory_space<hbm>> -> memref<4096xf32, #tpu.memory_space<hbm>>
      tpu.enqueue_dma source(%dma_start3A_72 : memref<4096xf32, #tpu.memory_space<hbm>>) target(%arg4 : memref<4096xf32, #tpu.memory_space<vmem>>) target_semaphore(%run_scoped3A : memref<!tpu.dma_semaphore, #tpu.memory_space<semaphore_mem>>)
      %dma_wait3A = arith.constant 0 : i32
      %dma_wait3A_73 = tpu.memref_slice %arg2[%add3A, %dma_wait3A] : memref<32x4096xf32, #tpu.memory_space<hbm>> -> memref<1x4096xf32, #tpu.memory_space<hbm>>
      %dma_wait3A_74 = tpu.memref_squeeze %dma_wait3A_73 : memref<1x4096xf32, #tpu.memory_space<hbm>> -> memref<4096xf32, #tpu.memory_space<hbm>>
      %dma_wait3A_75 = arith.constant 0 : i32
      %dma_wait3A_76 = tpu.memref_slice %arg2[%add3A, %dma_wait3A_75] : memref<32x4096xf32, #tpu.memory_space<hbm>> -> memref<1x4096xf32, #tpu.memory_space<hbm>>
      %dma_wait3A_77 = tpu.memref_squeeze %dma_wait3A_76 : memref<1x4096xf32, #tpu.memory_space<hbm>> -> memref<4096xf32, #tpu.memory_space<hbm>>
      tpu.wait_dma2 semaphore(%run_scoped3A : memref<!tpu.dma_semaphore, #tpu.memory_space<semaphore_mem>>) src(%dma_wait3A_77 : memref<4096xf32, #tpu.memory_space<hbm>>) dst(%arg4 : memref<4096xf32, #tpu.memory_space<vmem>>)
      tpu.yield
    }) : () -> ()
    %iota3A = tpu.iota {dimensions = array<i32: 0>} : vector<16xi32>
    %broadcast_in_dim3A = arith.constant 0xFF800000 : f32
    %broadcast_in_dim3A_1 = vector.broadcast %broadcast_in_dim3A : f32 to vector<16xf32>
    %broadcast_in_dim3A_2 = arith.constant 0 : i32
    %broadcast_in_dim3A_3 = vector.broadcast %broadcast_in_dim3A_2 : i32 to vector<16xi32>
    %scan3A = arith.constant 0 : i32
    %scan3A_4 = arith.constant 256 : i32
    %scan3A_5 = arith.addi %scan3A, %scan3A_4 : i32
    %scan3A_6 = arith.constant 1 : i32
    %scan3A_7:2 = scf.for %scan3A_68 = %scan3A to %scan3A_5 step %scan3A_6 iter_args(%scan3A_69 = %broadcast_in_dim3A_1, %scan3A_70 = %broadcast_in_dim3A_3) -> (vector<16xf32>, vector<16xi32>)  : i32 {
      %mul3A_71 = arith.constant 16 : i32
      %mul3A_72 = arith.muli %scan3A_68, %mul3A_71 : i32
      %get3A = arith.index_cast %mul3A_72 : i32 to index
      %get3A_73 = tpu.vector_load %arg4[%get3A] {strides = array<i32>} : memref<4096xf32, #tpu.memory_space<vmem>>, vector<16xf32>,
      %get3A_74 = vector.shape_cast %get3A_73 : vector<16xf32> to vector<16xf32>
      %mul3A_75 = arith.constant 16 : i32
      %mul3A_76 = arith.muli %scan3A_68, %mul3A_75 : i32
      %add3A_77 = vector.broadcast %mul3A_76 : i32 to vector<16xi32>
      %add3A_78 = arith.addi %iota3A, %add3A_77 : vector<16xi32>
      %gt3A_79 = arith.cmpf ogt, %get3A_74, %scan3A_69 : vector<16xf32>
      %select_n3A_80 = arith.select %gt3A_79, %get3A_74, %scan3A_69 : vector<16xi1>, vector<16xf32>
      %select_n3A_81 = arith.select %gt3A_79, %add3A_78, %scan3A_70 : vector<16xi1>, vector<16xi32>
      scf.yield %select_n3A_80, %select_n3A_81 : vector<16xf32>, vector<16xi32>
    }
    %scan3A_8 = arith.constant 256 : i32
    %xor3A = arith.constant 8 : i32
    %xor3A_9 = vector.broadcast %xor3A : i32 to vector<16xi32>
    %xor3A_10 = arith.xori %iota3A, %xor3A_9 : vector<16xi32>
    %broadcast_in_dim3A_11 = vector.shape_cast %xor3A_10 : vector<16xi32> to vector<16x1xi32>
    %gather3A = vector.shape_cast %broadcast_in_dim3A_11 : vector<16x1xi32> to vector<16xi32>
    %gather3A_12 = tpu.dynamic_gather %scan3A_7#0[%gather3A] in [0] : vector<16xf32>, vector<16xi32> -> vector<16xf32>
    %broadcast_in_dim3A_13 = vector.shape_cast %xor3A_10 : vector<16xi32> to vector<16x1xi32>
    %gather3A_14 = vector.shape_cast %broadcast_in_dim3A_13 : vector<16x1xi32> to vector<16xi32>
    %gather3A_15 = tpu.dynamic_gather %scan3A_7#1[%gather3A_14] in [0] : vector<16xi32>, vector<16xi32> -> vector<16xi32>
    %gt3A = arith.cmpf ogt, %gather3A_12, %scan3A_7#0 : vector<16xf32>
    %eq3A = arith.cmpf oeq, %gather3A_12, %scan3A_7#0 : vector<16xf32>
    %lt3A = arith.cmpi slt, %gather3A_15, %scan3A_7#1 : vector<16xi32>
    %and3A = arith.andi %eq3A, %lt3A : vector<16xi1>
    %or3A = arith.ori %gt3A, %and3A : vector<16xi1>
    %select_n3A = arith.select %or3A, %gather3A_12, %scan3A_7#0 : vector<16xi1>, vector<16xf32>
    %select_n3A_16 = arith.select %or3A, %gather3A_15, %scan3A_7#1 : vector<16xi1>, vector<16xi32>
    %xor3A_17 = arith.constant 4 : i32
    %xor3A_18 = vector.broadcast %xor3A_17 : i32 to vector<16xi32>
    %xor3A_19 = arith.xori %iota3A, %xor3A_18 : vector<16xi32>
    %broadcast_in_dim3A_20 = vector.shape_cast %xor3A_19 : vector<16xi32> to vector<16x1xi32>
    %gather3A_21 = vector.shape_cast %broadcast_in_dim3A_20 : vector<16x1xi32> to vector<16xi32>
    %gather3A_22 = tpu.dynamic_gather %select_n3A[%gather3A_21] in [0] : vector<16xf32>, vector<16xi32> -> vector<16xf32>
    %broadcast_in_dim3A_23 = vector.shape_cast %xor3A_19 : vector<16xi32> to vector<16x1xi32>
    %gather3A_24 = vector.shape_cast %broadcast_in_dim3A_23 : vector<16x1xi32> to vector<16xi32>
    %gather3A_25 = tpu.dynamic_gather %select_n3A_16[%gather3A_24] in [0] : vector<16xi32>, vector<16xi32> -> vector<16xi32>
    %gt3A_26 = arith.cmpf ogt, %gather3A_22, %select_n3A : vector<16xf32>
    %eq3A_27 = arith.cmpf oeq, %gather3A_22, %select_n3A : vector<16xf32>
    %lt3A_28 = arith.cmpi slt, %gather3A_25, %select_n3A_16 : vector<16xi32>
    %and3A_29 = arith.andi %eq3A_27, %lt3A_28 : vector<16xi1>
    %or3A_30 = arith.ori %gt3A_26, %and3A_29 : vector<16xi1>
    %select_n3A_31 = arith.select %or3A_30, %gather3A_22, %select_n3A : vector<16xi1>, vector<16xf32>
    %select_n3A_32 = arith.select %or3A_30, %gather3A_25, %select_n3A_16 : vector<16xi1>, vector<16xi32>
    %xor3A_33 = arith.constant 2 : i32
    %xor3A_34 = vector.broadcast %xor3A_33 : i32 to vector<16xi32>
    %xor3A_35 = arith.xori %iota3A, %xor3A_34 : vector<16xi32>
    %broadcast_in_dim3A_36 = vector.shape_cast %xor3A_35 : vector<16xi32> to vector<16x1xi32>
    %gather3A_37 = vector.shape_cast %broadcast_in_dim3A_36 : vector<16x1xi32> to vector<16xi32>
    %gather3A_38 = tpu.dynamic_gather %select_n3A_31[%gather3A_37] in [0] : vector<16xf32>, vector<16xi32> -> vector<16xf32>
    %broadcast_in_dim3A_39 = vector.shape_cast %xor3A_35 : vector<16xi32> to vector<16x1xi32>
    %gather3A_40 = vector.shape_cast %broadcast_in_dim3A_39 : vector<16x1xi32> to vector<16xi32>
    %gather3A_41 = tpu.dynamic_gather %select_n3A_32[%gather3A_40] in [0] : vector<16xi32>, vector<16xi32> -> vector<16xi32>
    %gt3A_42 = arith.cmpf ogt, %gather3A_38, %select_n3A_31 : vector<16xf32>
    %eq3A_43 = arith.cmpf oeq, %gather3A_38, %select_n3A_31 : vector<16xf32>
    %lt3A_44 = arith.cmpi slt, %gather3A_41, %select_n3A_32 : vector<16xi32>
    %and3A_45 = arith.andi %eq3A_43, %lt3A_44 : vector<16xi1>
    %or3A_46 = arith.ori %gt3A_42, %and3A_45 : vector<16xi1>
    %select_n3A_47 = arith.select %or3A_46, %gather3A_38, %select_n3A_31 : vector<16xi1>, vector<16xf32>
    %select_n3A_48 = arith.select %or3A_46, %gather3A_41, %select_n3A_32 : vector<16xi1>, vector<16xi32>
    %xor3A_49 = arith.constant 1 : i32
    %xor3A_50 = vector.broadcast %xor3A_49 : i32 to vector<16xi32>
    %xor3A_51 = arith.xori %iota3A, %xor3A_50 : vector<16xi32>
    %broadcast_in_dim3A_52 = vector.shape_cast %xor3A_51 : vector<16xi32> to vector<16x1xi32>
    %gather3A_53 = vector.shape_cast %broadcast_in_dim3A_52 : vector<16x1xi32> to vector<16xi32>
    %gather3A_54 = tpu.dynamic_gather %select_n3A_47[%gather3A_53] in [0] : vector<16xf32>, vector<16xi32> -> vector<16xf32>
    %broadcast_in_dim3A_55 = vector.shape_cast %xor3A_51 : vector<16xi32> to vector<16x1xi32>
    %gather3A_56 = vector.shape_cast %broadcast_in_dim3A_55 : vector<16x1xi32> to vector<16xi32>
    %gather3A_57 = tpu.dynamic_gather %select_n3A_48[%gather3A_56] in [0] : vector<16xi32>, vector<16xi32> -> vector<16xi32>
    %gt3A_58 = arith.cmpf ogt, %gather3A_54, %select_n3A_47 : vector<16xf32>
    %eq3A_59 = arith.cmpf oeq, %gather3A_54, %select_n3A_47 : vector<16xf32>
    %lt3A_60 = arith.cmpi slt, %gather3A_57, %select_n3A_48 : vector<16xi32>
    %and3A_61 = arith.andi %eq3A_59, %lt3A_60 : vector<16xi1>
    %or3A_62 = arith.ori %gt3A_58, %and3A_61 : vector<16xi1>
    %select_n3A_63 = arith.select %or3A_62, %gather3A_54, %select_n3A_47 : vector<16xi1>, vector<16xf32>
    %select_n3A_64 = arith.select %or3A_62, %gather3A_57, %select_n3A_48 : vector<16xi1>, vector<16xi32>
    %swap3A = arith.constant 0 : index
    %swap3A_65 = tpu.vector_load %arg5[%swap3A] {strides = array<i32>} : memref<16xi32, #tpu.memory_space<vmem>>, vector<16xi32>,
    %swap3A_66 = vector.shape_cast %swap3A_65 : vector<16xi32> to vector<16xi32>
    %swap3A_67 = vector.shape_cast %select_n3A_64 : vector<16xi32> to vector<16xi32>
    tpu.vector_store %arg5[%swap3A], %swap3A_67 {strides = array<i32>} : memref<16xi32, #tpu.memory_space<vmem>>, vector<16xi32>,
    "tpu.region"() ({
      %run_scoped3A = tpu.sem_alloc : memref<!tpu.dma_semaphore, #tpu.memory_space<semaphore_mem>>
      %dma_start3A = arith.constant 0 : i32
      %dma_start3A_68 = tpu.memref_slice %arg3[%add3A, %dma_start3A] : memref<32x16xi32, #tpu.memory_space<hbm>> -> memref<1x16xi32, #tpu.memory_space<hbm>>
      %dma_start3A_69 = tpu.memref_squeeze %dma_start3A_68 : memref<1x16xi32, #tpu.memory_space<hbm>> -> memref<16xi32, #tpu.memory_space<hbm>>
      %dma_start3A_70 = arith.constant 0 : i32
      %dma_start3A_71 = tpu.memref_slice %arg3[%add3A, %dma_start3A_70] : memref<32x16xi32, #tpu.memory_space<hbm>> -> memref<1x16xi32, #tpu.memory_space<hbm>>
      %dma_start3A_72 = tpu.memref_squeeze %dma_start3A_71 : memref<1x16xi32, #tpu.memory_space<hbm>> -> memref<16xi32, #tpu.memory_space<hbm>>
      tpu.enqueue_dma source(%arg5 : memref<16xi32, #tpu.memory_space<vmem>>) target(%dma_start3A_72 : memref<16xi32, #tpu.memory_space<hbm>>) target_semaphore(%run_scoped3A : memref<!tpu.dma_semaphore, #tpu.memory_space<semaphore_mem>>)
      %dma_wait3A = arith.constant 0 : i32
      %dma_wait3A_73 = tpu.memref_slice %arg3[%add3A, %dma_wait3A] : memref<32x16xi32, #tpu.memory_space<hbm>> -> memref<1x16xi32, #tpu.memory_space<hbm>>
      %dma_wait3A_74 = tpu.memref_squeeze %dma_wait3A_73 : memref<1x16xi32, #tpu.memory_space<hbm>> -> memref<16xi32, #tpu.memory_space<hbm>>
      %dma_wait3A_75 = arith.constant 0 : i32
      %dma_wait3A_76 = tpu.memref_slice %arg3[%add3A, %dma_wait3A_75] : memref<32x16xi32, #tpu.memory_space<hbm>> -> memref<1x16xi32, #tpu.memory_space<hbm>>
      %dma_wait3A_77 = tpu.memref_squeeze %dma_wait3A_76 : memref<1x16xi32, #tpu.memory_space<hbm>> -> memref<16xi32, #tpu.memory_space<hbm>>
      tpu.wait_dma2 semaphore(%run_scoped3A : memref<!tpu.dma_semaphore, #tpu.memory_space<semaphore_mem>>) src(%arg5 : memref<16xi32, #tpu.memory_space<vmem>>) dst(%dma_wait3A_77 : memref<16xi32, #tpu.memory_space<hbm>>)
      tpu.yield
    }) : () -> ()
    return
  }
}

module attributes {stable_mosaic.version = 14 : i64} {
  func.func @_tc_body(%arg0: i32, %arg1: memref<32x16xi32, #tpu.memory_space<smem>>, %arg2: memref<1x4096x128xf32, #tpu.memory_space<vmem>>, %arg3: memref<32x4096x128xf32, #tpu.memory_space<hbm>>, %arg4: memref<4096x32xf32, #tpu.memory_space<vmem>>, %arg5: memref<1x1xf32, #tpu.memory_space<vmem>>, %arg6: memref<128x32xf32, #tpu.memory_space<vmem>>, %arg7: memref<32x8x128xf32, #tpu.memory_space<vmem>>, %arg8: memref<1x32xf32, #tpu.memory_space<vmem>>, %arg9: memref<1x32xf32, #tpu.memory_space<vmem>>, %arg10: memref<4096x32xf32, #tpu.memory_space<vmem>>, %arg11: memref<1x32xf32, #tpu.memory_space<vmem>>, %arg12: memref<1x4096xf32, #tpu.memory_space<vmem>>, %arg13: memref<!tpu.dma_semaphore, #tpu.memory_space<semaphore_mem>>) attributes {dimension_semantics = [#tpu.dimension_semantics<arbitrary>], iteration_bounds = array<i64: 32>, scalar_prefetch = 0 : i64, scratch_operands = 8 : i64, tpu.core_type = #tpu.core_type<tc>, window_params = [{transform_indices = @transform_0, window_bounds = array<i64: 32, 16>}, {transform_indices = @transform_1, window_bounds = array<i64: 1, 4096, 128>}, {}, {pipeline_mode = #tpu.pipeline_mode<synchronous>, transform_indices = @transform_3, window_bounds = array<i64: 4096, 32>}, {pipeline_mode = #tpu.pipeline_mode<synchronous>, transform_indices = @transform_4, window_bounds = array<i64: 1, 1>}]} {
    %eq3A = arith.constant 0 : i32
    %eq3A_0 = arith.cmpi eq, %arg0, %eq3A : i32
    %convert_element_type3A = arith.extui %eq3A_0 : i1 to i32
    %cond3A = arith.constant 0 : i32
    %cond3A_1 = arith.cmpi ne, %convert_element_type3A, %cond3A : i32
    scf.if %cond3A_1 {
      %broadcast_in_dim3A_49 = arith.constant 0.000000e+00 : f32
      %broadcast_in_dim3A_50 = vector.broadcast %broadcast_in_dim3A_49 : f32 to vector<1x32xf32>
      %swap3A_51 = arith.constant 0 : index
      %swap3A_52 = arith.constant 0 : index
      %swap3A_53 = vector.load %arg8[%swap3A_51, %swap3A_52] : memref<1x32xf32, #tpu.memory_space<vmem>>, vector<1x32xf32>
      tpu.vector_store %arg8[%swap3A_51, %swap3A_52], %broadcast_in_dim3A_50 {strides = array<i32>} : memref<1x32xf32, #tpu.memory_space<vmem>>, vector<1x32xf32>,
      %broadcast_in_dim3A_54 = arith.constant 0.000000e+00 : f32
      %broadcast_in_dim3A_55 = vector.broadcast %broadcast_in_dim3A_54 : f32 to vector<1x32xf32>
      %swap3A_56 = arith.constant 0 : index
      %swap3A_57 = arith.constant 0 : index
      %swap3A_58 = vector.load %arg9[%swap3A_56, %swap3A_57] : memref<1x32xf32, #tpu.memory_space<vmem>>, vector<1x32xf32>
      tpu.vector_store %arg9[%swap3A_56, %swap3A_57], %broadcast_in_dim3A_55 {strides = array<i32>} : memref<1x32xf32, #tpu.memory_space<vmem>>, vector<1x32xf32>,
      %broadcast_in_dim3A_59 = arith.constant 1.000000e+00 : f32
      %broadcast_in_dim3A_60 = vector.broadcast %broadcast_in_dim3A_59 : f32 to vector<1x4096xf32>
      %swap3A_61 = arith.constant 0 : index
      %swap3A_62 = arith.constant 0 : index
      %swap3A_63 = vector.load %arg12[%swap3A_61, %swap3A_62] : memref<1x4096xf32, #tpu.memory_space<vmem>>, vector<1x4096xf32>
      tpu.vector_store %arg12[%swap3A_61, %swap3A_62], %broadcast_in_dim3A_60 {strides = array<i32>} : memref<1x4096xf32, #tpu.memory_space<vmem>>, vector<1x4096xf32>,
      %get3A_64 = arith.constant 0 : index
      %get3A_65 = arith.constant 0 : index
      %get3A_66 = vector.load %arg4[%get3A_64, %get3A_65] : memref<4096x32xf32, #tpu.memory_space<vmem>>, vector<4096x32xf32>
      %gt3A = arith.constant 5.000000e-01 : f32
      %gt3A_67 = vector.broadcast %gt3A : f32 to vector<4096x32xf32>
      %gt3A_68 = arith.cmpf ogt, %get3A_66, %gt3A_67 : vector<4096x32xf32>
      %jit3A_69 = arith.constant 0.000000e+00 : f32
      %jit3A_70 = arith.constant 1.000000e+00 : f32
      %broadcast_in_dim3A_71 = vector.broadcast %jit3A_69 : f32 to vector<4096x32xf32>
      %broadcast_in_dim3A_72 = vector.broadcast %jit3A_70 : f32 to vector<4096x32xf32>
      %select_n3A_73 = arith.select %gt3A_68, %broadcast_in_dim3A_71, %broadcast_in_dim3A_72 : vector<4096x32xi1>, vector<4096x32xf32>
      %swap3A_74 = arith.constant 0 : index
      %swap3A_75 = arith.constant 0 : index
      %swap3A_76 = vector.load %arg10[%swap3A_74, %swap3A_75] : memref<4096x32xf32, #tpu.memory_space<vmem>>, vector<4096x32xf32>
      tpu.vector_store %arg10[%swap3A_74, %swap3A_75], %select_n3A_73 {strides = array<i32>} : memref<4096x32xf32, #tpu.memory_space<vmem>>, vector<4096x32xf32>,
      %scan3A = arith.constant 0 : i32
      %scan3A_77 = arith.constant 32 : i32
      %scan3A_78 = arith.addi %scan3A, %scan3A_77 : i32
      %scan3A_79 = arith.constant 1 : i32
      scf.for %scan3A_1221 = %scan3A to %scan3A_78 step %scan3A_79  : i32 {
        %get3A_1222 = arith.index_cast %scan3A_1221 : i32 to index
        %get3A_1223 = arith.constant 0 : index
        %get3A_1224 = memref.load %arg1[%get3A_1222, %get3A_1223] : memref<32x16xi32, #tpu.memory_space<smem>>
        %jit3A_1225 = arith.constant 8 : i32
        %div3A_1226 = arith.divsi %get3A_1224, %jit3A_1225 : i32
        %sign3A = arith.constant 0 : i32
        %sign3A_1227 = arith.cmpi sgt, %get3A_1224, %sign3A : i32
        %sign3A_1228 = arith.extui %sign3A_1227 : i1 to i32
        %sign3A_1229 = arith.constant 0 : i32
        %sign3A_1230 = arith.cmpi slt, %get3A_1224, %sign3A_1229 : i32
        %sign3A_1231 = arith.extui %sign3A_1230 : i1 to i32
        %sign3A_1232 = arith.subi %sign3A_1228, %sign3A_1231 : i32
        %sign3A_1233 = arith.constant 0 : i32
        %sign3A_1234 = arith.cmpi sgt, %jit3A_1225, %sign3A_1233 : i32
        %sign3A_1235 = arith.extui %sign3A_1234 : i1 to i32
        %sign3A_1236 = arith.constant 0 : i32
        %sign3A_1237 = arith.cmpi slt, %jit3A_1225, %sign3A_1236 : i32
        %sign3A_1238 = arith.extui %sign3A_1237 : i1 to i32
        %sign3A_1239 = arith.subi %sign3A_1235, %sign3A_1238 : i32
        %ne3A_1240 = arith.cmpi ne, %sign3A_1232, %sign3A_1239 : i32
        %rem3A_1241 = arith.remsi %get3A_1224, %jit3A_1225 : i32
        %ne3A_1242 = arith.constant 0 : i32
        %ne3A_1243 = arith.cmpi ne, %rem3A_1241, %ne3A_1242 : i32
        %and3A_1244 = arith.andi %ne3A_1240, %ne3A_1243 : i1
        %sub3A_1245 = arith.constant 1 : i32
        %sub3A_1246 = arith.subi %div3A_1226, %sub3A_1245 : i32
        %select_n3A_1247 = arith.select %and3A_1244, %sub3A_1246, %div3A_1226 : i32
        %mul3A_1248 = arith.constant 8 : i32
        %mul3A_1249 = arith.muli %select_n3A_1247, %mul3A_1248 : i32
        %multiple_of3A = tpu.assume_multiple %mul3A_1249, 8 : i32
        %dma_start3A = arith.constant 0 : i32
        %dma_start3A_1250 = arith.constant 0 : i32
        %dma_start3A_1251 = tpu.memref_slice %arg7[%scan3A_1221, %dma_start3A, %dma_start3A_1250] : memref<32x8x128xf32, #tpu.memory_space<vmem>> -> memref<1x8x128xf32, #tpu.memory_space<vmem>>
        %dma_start3A_1252 = tpu.memref_squeeze %dma_start3A_1251 : memref<1x8x128xf32, #tpu.memory_space<vmem>> -> memref<8x128xf32, #tpu.memory_space<vmem>>
        %dma_start3A_1253 = arith.constant 0 : i32
        %dma_start3A_1254 = tpu.memref_slice %arg3[%scan3A_1221, %multiple_of3A, %dma_start3A_1253] : memref<32x4096x128xf32, #tpu.memory_space<hbm>> -> memref<1x8x128xf32, #tpu.memory_space<hbm>>
        %dma_start3A_1255 = tpu.memref_squeeze %dma_start3A_1254 : memref<1x8x128xf32, #tpu.memory_space<hbm>> -> memref<8x128xf32, #tpu.memory_space<hbm>>
        tpu.enqueue_dma source(%dma_start3A_1255 : memref<8x128xf32, #tpu.memory_space<hbm>>) target(%dma_start3A_1252 : memref<8x128xf32, #tpu.memory_space<vmem>>) target_semaphore(%arg13 : memref<!tpu.dma_semaphore, #tpu.memory_space<semaphore_mem>>)
      }
      %scan3A_80 = arith.constant 32 : i32
      %scan3A_81 = arith.constant 0 : i32
      %scan3A_82 = arith.constant 32 : i32
      %scan3A_83 = arith.addi %scan3A_81, %scan3A_82 : i32
      %scan3A_84 = arith.constant 1 : i32
      scf.for %scan3A_1221 = %scan3A_81 to %scan3A_83 step %scan3A_84  : i32 {
        %dma_wait3A = arith.constant 0 : i32
        %dma_wait3A_1222 = arith.constant 0 : i32
        %dma_wait3A_1223 = arith.constant 0 : i32
        %dma_wait3A_1224 = arith.constant 0 : i32
        %dma_wait3A_1225 = tpu.memref_slice %arg7[%dma_wait3A_1222, %dma_wait3A_1223, %dma_wait3A_1224] : memref<32x8x128xf32, #tpu.memory_space<vmem>> -> memref<1x8x128xf32, #tpu.memory_space<vmem>>
        %dma_wait3A_1226 = tpu.memref_squeeze %dma_wait3A_1225 : memref<1x8x128xf32, #tpu.memory_space<vmem>> -> memref<8x128xf32, #tpu.memory_space<vmem>>
        %dma_wait3A_1227 = arith.constant 0 : i32
        %dma_wait3A_1228 = arith.constant 0 : i32
        %dma_wait3A_1229 = tpu.memref_slice %arg3[%dma_wait3A, %dma_wait3A_1227, %dma_wait3A_1228] : memref<32x4096x128xf32, #tpu.memory_space<hbm>> -> memref<1x8x128xf32, #tpu.memory_space<hbm>>
        %dma_wait3A_1230 = tpu.memref_squeeze %dma_wait3A_1229 : memref<1x8x128xf32, #tpu.memory_space<hbm>> -> memref<8x128xf32, #tpu.memory_space<hbm>>
        tpu.wait_dma2 semaphore(%arg13 : memref<!tpu.dma_semaphore, #tpu.memory_space<semaphore_mem>>) src(%dma_wait3A_1230 : memref<8x128xf32, #tpu.memory_space<hbm>>) dst(%dma_wait3A_1226 : memref<8x128xf32, #tpu.memory_space<vmem>>)
      }
      %get3A_85 = arith.constant 0 : index
      %get3A_86 = arith.constant 0 : index
      %get3A_87 = memref.load %arg1[%get3A_85, %get3A_86] : memref<32x16xi32, #tpu.memory_space<smem>>
      %jit3A_88 = arith.constant 8 : i32
      %eq3A_89 = arith.constant 0 : i32
      %eq3A_90 = arith.cmpi eq, %jit3A_88, %eq3A_89 : i32
      %jit3A_91 = arith.constant 1 : i32
      %select_n3A_92 = arith.select %eq3A_90, %jit3A_91, %jit3A_88 : i32
      %rem3A = arith.remsi %get3A_87, %select_n3A_92 : i32
      %ne3A = arith.constant 0 : i32
      %ne3A_93 = arith.cmpi ne, %rem3A, %ne3A : i32
      %lt3A = arith.constant 0 : i32
      %lt3A_94 = arith.cmpi slt, %rem3A, %lt3A : i32
      %lt3A_95 = arith.constant 0 : i32
      %lt3A_96 = arith.cmpi slt, %select_n3A_92, %lt3A_95 : i32
      %ne3A_97 = arith.xori %lt3A_94, %lt3A_96 : i1
      %and3A = arith.andi %ne3A_97, %ne3A_93 : i1
      %add3A_98 = arith.addi %rem3A, %select_n3A_92 : i32
      %select_n3A_99 = arith.select %and3A, %add3A_98, %rem3A : i32
      %iota3A_100 = tpu.iota {dimensions = array<i32: 0>} : vector<8x1xi32>
      %eq3A_101 = vector.broadcast %select_n3A_99 : i32 to vector<8x1xi32>
      %eq3A_102 = arith.cmpi eq, %iota3A_100, %eq3A_101 : vector<8x1xi32>
      %get3A_103 = arith.constant 0 : index
      %get3A_104 = arith.constant 0 : index
      %get3A_105 = arith.constant 0 : index
      %get3A_106 = vector.load %arg7[%get3A_103, %get3A_104, %get3A_105] : memref<32x8x128xf32, #tpu.memory_space<vmem>>, vector<1x8x128xf32>
      %get3A_107 = vector.shape_cast %get3A_106 : vector<1x8x128xf32> to vector<8x128xf32>
      %jit3A_108 = arith.constant 0.000000e+00 : f32
      %broadcast_in_dim3A_109 = vector.shape_cast %eq3A_102 : vector<8x1xi1> to vector<8x1xi1>
      %broadcast_in_dim3A_110 = vector.broadcast %broadcast_in_dim3A_109 : vector<8x1xi1> to vector<8x128xi1>
      %broadcast_in_dim3A_111 = vector.broadcast %jit3A_108 : f32 to vector<8x128xf32>
      %select_n3A_112 = arith.select %broadcast_in_dim3A_110, %get3A_107, %broadcast_in_dim3A_111 : vector<8x128xi1>, vector<8x128xf32>
      %reduce_sum3A_113 = arith.constant dense<0.000000e+00> : vector<128xf32>
      %reduce_sum3A_114 = vector.multi_reduction <add>, %select_n3A_112, %reduce_sum3A_113 [0] : vector<8x128xf32> to vector<128xf32>
      %get3A_115 = arith.constant 1 : index
      %get3A_116 = arith.constant 0 : index
      %get3A_117 = memref.load %arg1[%get3A_115, %get3A_116] : memref<32x16xi32, #tpu.memory_space<smem>>
      %jit3A_118 = arith.constant 8 : i32
      %eq3A_119 = arith.constant 0 : i32
      %eq3A_120 = arith.cmpi eq, %jit3A_118, %eq3A_119 : i32
      %jit3A_121 = arith.constant 1 : i32
      %select_n3A_122 = arith.select %eq3A_120, %jit3A_121, %jit3A_118 : i32
      %rem3A_123 = arith.remsi %get3A_117, %select_n3A_122 : i32
      %ne3A_124 = arith.constant 0 : i32
      %ne3A_125 = arith.cmpi ne, %rem3A_123, %ne3A_124 : i32
      %lt3A_126 = arith.constant 0 : i32
      %lt3A_127 = arith.cmpi slt, %rem3A_123, %lt3A_126 : i32
      %lt3A_128 = arith.constant 0 : i32
      %lt3A_129 = arith.cmpi slt, %select_n3A_122, %lt3A_128 : i32
      %ne3A_130 = arith.xori %lt3A_127, %lt3A_129 : i1
      %and3A_131 = arith.andi %ne3A_130, %ne3A_125 : i1
      %add3A_132 = arith.addi %rem3A_123, %select_n3A_122 : i32
      %select_n3A_133 = arith.select %and3A_131, %add3A_132, %rem3A_123 : i32
      %iota3A_134 = tpu.iota {dimensions = array<i32: 0>} : vector<8x1xi32>
      %eq3A_135 = vector.broadcast %select_n3A_133 : i32 to vector<8x1xi32>
      %eq3A_136 = arith.cmpi eq, %iota3A_134, %eq3A_135 : vector<8x1xi32>
      %get3A_137 = arith.constant 1 : index
      %get3A_138 = arith.constant 0 : index
      %get3A_139 = arith.constant 0 : index
      %get3A_140 = vector.load %arg7[%get3A_137, %get3A_138, %get3A_139] : memref<32x8x128xf32, #tpu.memory_space<vmem>>, vector<1x8x128xf32>
      %get3A_141 = vector.shape_cast %get3A_140 : vector<1x8x128xf32> to vector<8x128xf32>
      %jit3A_142 = arith.constant 0.000000e+00 : f32
      %broadcast_in_dim3A_143 = vector.shape_cast %eq3A_136 : vector<8x1xi1> to vector<8x1xi1>
      %broadcast_in_dim3A_144 = vector.broadcast %broadcast_in_dim3A_143 : vector<8x1xi1> to vector<8x128xi1>
      %broadcast_in_dim3A_145 = vector.broadcast %jit3A_142 : f32 to vector<8x128xf32>
      %select_n3A_146 = arith.select %broadcast_in_dim3A_144, %get3A_141, %broadcast_in_dim3A_145 : vector<8x128xi1>, vector<8x128xf32>
      %reduce_sum3A_147 = arith.constant dense<0.000000e+00> : vector<128xf32>
      %reduce_sum3A_148 = vector.multi_reduction <add>, %select_n3A_146, %reduce_sum3A_147 [0] : vector<8x128xf32> to vector<128xf32>
      %get3A_149 = arith.constant 2 : index
      %get3A_150 = arith.constant 0 : index
      %get3A_151 = memref.load %arg1[%get3A_149, %get3A_150] : memref<32x16xi32, #tpu.memory_space<smem>>
      %jit3A_152 = arith.constant 8 : i32
      %eq3A_153 = arith.constant 0 : i32
      %eq3A_154 = arith.cmpi eq, %jit3A_152, %eq3A_153 : i32
      %jit3A_155 = arith.constant 1 : i32
      %select_n3A_156 = arith.select %eq3A_154, %jit3A_155, %jit3A_152 : i32
      %rem3A_157 = arith.remsi %get3A_151, %select_n3A_156 : i32
      %ne3A_158 = arith.constant 0 : i32
      %ne3A_159 = arith.cmpi ne, %rem3A_157, %ne3A_158 : i32
      %lt3A_160 = arith.constant 0 : i32
      %lt3A_161 = arith.cmpi slt, %rem3A_157, %lt3A_160 : i32
      %lt3A_162 = arith.constant 0 : i32
      %lt3A_163 = arith.cmpi slt, %select_n3A_156, %lt3A_162 : i32
      %ne3A_164 = arith.xori %lt3A_161, %lt3A_163 : i1
      %and3A_165 = arith.andi %ne3A_164, %ne3A_159 : i1
      %add3A_166 = arith.addi %rem3A_157, %select_n3A_156 : i32
      %select_n3A_167 = arith.select %and3A_165, %add3A_166, %rem3A_157 : i32
      %iota3A_168 = tpu.iota {dimensions = array<i32: 0>} : vector<8x1xi32>
      %eq3A_169 = vector.broadcast %select_n3A_167 : i32 to vector<8x1xi32>
      %eq3A_170 = arith.cmpi eq, %iota3A_168, %eq3A_169 : vector<8x1xi32>
      %get3A_171 = arith.constant 2 : index
      %get3A_172 = arith.constant 0 : index
      %get3A_173 = arith.constant 0 : index
      %get3A_174 = vector.load %arg7[%get3A_171, %get3A_172, %get3A_173] : memref<32x8x128xf32, #tpu.memory_space<vmem>>, vector<1x8x128xf32>
      %get3A_175 = vector.shape_cast %get3A_174 : vector<1x8x128xf32> to vector<8x128xf32>
      %jit3A_176 = arith.constant 0.000000e+00 : f32
      %broadcast_in_dim3A_177 = vector.shape_cast %eq3A_170 : vector<8x1xi1> to vector<8x1xi1>
      %broadcast_in_dim3A_178 = vector.broadcast %broadcast_in_dim3A_177 : vector<8x1xi1> to vector<8x128xi1>
      %broadcast_in_dim3A_179 = vector.broadcast %jit3A_176 : f32 to vector<8x128xf32>
      %select_n3A_180 = arith.select %broadcast_in_dim3A_178, %get3A_175, %broadcast_in_dim3A_179 : vector<8x128xi1>, vector<8x128xf32>
      %reduce_sum3A_181 = arith.constant dense<0.000000e+00> : vector<128xf32>
      %reduce_sum3A_182 = vector.multi_reduction <add>, %select_n3A_180, %reduce_sum3A_181 [0] : vector<8x128xf32> to vector<128xf32>
      %get3A_183 = arith.constant 3 : index
      %get3A_184 = arith.constant 0 : index
      %get3A_185 = memref.load %arg1[%get3A_183, %get3A_184] : memref<32x16xi32, #tpu.memory_space<smem>>
      %jit3A_186 = arith.constant 8 : i32
      %eq3A_187 = arith.constant 0 : i32
      %eq3A_188 = arith.cmpi eq, %jit3A_186, %eq3A_187 : i32
      %jit3A_189 = arith.constant 1 : i32
      %select_n3A_190 = arith.select %eq3A_188, %jit3A_189, %jit3A_186 : i32
      %rem3A_191 = arith.remsi %get3A_185, %select_n3A_190 : i32
      %ne3A_192 = arith.constant 0 : i32
      %ne3A_193 = arith.cmpi ne, %rem3A_191, %ne3A_192 : i32
      %lt3A_194 = arith.constant 0 : i32
      %lt3A_195 = arith.cmpi slt, %rem3A_191, %lt3A_194 : i32
      %lt3A_196 = arith.constant 0 : i32
      %lt3A_197 = arith.cmpi slt, %select_n3A_190, %lt3A_196 : i32
      %ne3A_198 = arith.xori %lt3A_195, %lt3A_197 : i1
      %and3A_199 = arith.andi %ne3A_198, %ne3A_193 : i1
      %add3A_200 = arith.addi %rem3A_191, %select_n3A_190 : i32
      %select_n3A_201 = arith.select %and3A_199, %add3A_200, %rem3A_191 : i32
      %iota3A_202 = tpu.iota {dimensions = array<i32: 0>} : vector<8x1xi32>
      %eq3A_203 = vector.broadcast %select_n3A_201 : i32 to vector<8x1xi32>
      %eq3A_204 = arith.cmpi eq, %iota3A_202, %eq3A_203 : vector<8x1xi32>
      %get3A_205 = arith.constant 3 : index
      %get3A_206 = arith.constant 0 : index
      %get3A_207 = arith.constant 0 : index
      %get3A_208 = vector.load %arg7[%get3A_205, %get3A_206, %get3A_207] : memref<32x8x128xf32, #tpu.memory_space<vmem>>, vector<1x8x128xf32>
      %get3A_209 = vector.shape_cast %get3A_208 : vector<1x8x128xf32> to vector<8x128xf32>
      %jit3A_210 = arith.constant 0.000000e+00 : f32
      %broadcast_in_dim3A_211 = vector.shape_cast %eq3A_204 : vector<8x1xi1> to vector<8x1xi1>
      %broadcast_in_dim3A_212 = vector.broadcast %broadcast_in_dim3A_211 : vector<8x1xi1> to vector<8x128xi1>
      %broadcast_in_dim3A_213 = vector.broadcast %jit3A_210 : f32 to vector<8x128xf32>
      %select_n3A_214 = arith.select %broadcast_in_dim3A_212, %get3A_209, %broadcast_in_dim3A_213 : vector<8x128xi1>, vector<8x128xf32>
      %reduce_sum3A_215 = arith.constant dense<0.000000e+00> : vector<128xf32>
      %reduce_sum3A_216 = vector.multi_reduction <add>, %select_n3A_214, %reduce_sum3A_215 [0] : vector<8x128xf32> to vector<128xf32>
      %get3A_217 = arith.constant 4 : index
      %get3A_218 = arith.constant 0 : index
      %get3A_219 = memref.load %arg1[%get3A_217, %get3A_218] : memref<32x16xi32, #tpu.memory_space<smem>>
      %jit3A_220 = arith.constant 8 : i32
      %eq3A_221 = arith.constant 0 : i32
      %eq3A_222 = arith.cmpi eq, %jit3A_220, %eq3A_221 : i32
      %jit3A_223 = arith.constant 1 : i32
      %select_n3A_224 = arith.select %eq3A_222, %jit3A_223, %jit3A_220 : i32
      %rem3A_225 = arith.remsi %get3A_219, %select_n3A_224 : i32
      %ne3A_226 = arith.constant 0 : i32
      %ne3A_227 = arith.cmpi ne, %rem3A_225, %ne3A_226 : i32
      %lt3A_228 = arith.constant 0 : i32
      %lt3A_229 = arith.cmpi slt, %rem3A_225, %lt3A_228 : i32
      %lt3A_230 = arith.constant 0 : i32
      %lt3A_231 = arith.cmpi slt, %select_n3A_224, %lt3A_230 : i32
      %ne3A_232 = arith.xori %lt3A_229, %lt3A_231 : i1
      %and3A_233 = arith.andi %ne3A_232, %ne3A_227 : i1
      %add3A_234 = arith.addi %rem3A_225, %select_n3A_224 : i32
      %select_n3A_235 = arith.select %and3A_233, %add3A_234, %rem3A_225 : i32
      %iota3A_236 = tpu.iota {dimensions = array<i32: 0>} : vector<8x1xi32>
      %eq3A_237 = vector.broadcast %select_n3A_235 : i32 to vector<8x1xi32>
      %eq3A_238 = arith.cmpi eq, %iota3A_236, %eq3A_237 : vector<8x1xi32>
      %get3A_239 = arith.constant 4 : index
      %get3A_240 = arith.constant 0 : index
      %get3A_241 = arith.constant 0 : index
      %get3A_242 = vector.load %arg7[%get3A_239, %get3A_240, %get3A_241] : memref<32x8x128xf32, #tpu.memory_space<vmem>>, vector<1x8x128xf32>
      %get3A_243 = vector.shape_cast %get3A_242 : vector<1x8x128xf32> to vector<8x128xf32>
      %jit3A_244 = arith.constant 0.000000e+00 : f32
      %broadcast_in_dim3A_245 = vector.shape_cast %eq3A_238 : vector<8x1xi1> to vector<8x1xi1>
      %broadcast_in_dim3A_246 = vector.broadcast %broadcast_in_dim3A_245 : vector<8x1xi1> to vector<8x128xi1>
      %broadcast_in_dim3A_247 = vector.broadcast %jit3A_244 : f32 to vector<8x128xf32>
      %select_n3A_248 = arith.select %broadcast_in_dim3A_246, %get3A_243, %broadcast_in_dim3A_247 : vector<8x128xi1>, vector<8x128xf32>
      %reduce_sum3A_249 = arith.constant dense<0.000000e+00> : vector<128xf32>
      %reduce_sum3A_250 = vector.multi_reduction <add>, %select_n3A_248, %reduce_sum3A_249 [0] : vector<8x128xf32> to vector<128xf32>
      %get3A_251 = arith.constant 5 : index
      %get3A_252 = arith.constant 0 : index
      %get3A_253 = memref.load %arg1[%get3A_251, %get3A_252] : memref<32x16xi32, #tpu.memory_space<smem>>
      %jit3A_254 = arith.constant 8 : i32
      %eq3A_255 = arith.constant 0 : i32
      %eq3A_256 = arith.cmpi eq, %jit3A_254, %eq3A_255 : i32
      %jit3A_257 = arith.constant 1 : i32
      %select_n3A_258 = arith.select %eq3A_256, %jit3A_257, %jit3A_254 : i32
      %rem3A_259 = arith.remsi %get3A_253, %select_n3A_258 : i32
      %ne3A_260 = arith.constant 0 : i32
      %ne3A_261 = arith.cmpi ne, %rem3A_259, %ne3A_260 : i32
      %lt3A_262 = arith.constant 0 : i32
      %lt3A_263 = arith.cmpi slt, %rem3A_259, %lt3A_262 : i32
      %lt3A_264 = arith.constant 0 : i32
      %lt3A_265 = arith.cmpi slt, %select_n3A_258, %lt3A_264 : i32
      %ne3A_266 = arith.xori %lt3A_263, %lt3A_265 : i1
      %and3A_267 = arith.andi %ne3A_266, %ne3A_261 : i1
      %add3A_268 = arith.addi %rem3A_259, %select_n3A_258 : i32
      %select_n3A_269 = arith.select %and3A_267, %add3A_268, %rem3A_259 : i32
      %iota3A_270 = tpu.iota {dimensions = array<i32: 0>} : vector<8x1xi32>
      %eq3A_271 = vector.broadcast %select_n3A_269 : i32 to vector<8x1xi32>
      %eq3A_272 = arith.cmpi eq, %iota3A_270, %eq3A_271 : vector<8x1xi32>
      %get3A_273 = arith.constant 5 : index
      %get3A_274 = arith.constant 0 : index
      %get3A_275 = arith.constant 0 : index
      %get3A_276 = vector.load %arg7[%get3A_273, %get3A_274, %get3A_275] : memref<32x8x128xf32, #tpu.memory_space<vmem>>, vector<1x8x128xf32>
      %get3A_277 = vector.shape_cast %get3A_276 : vector<1x8x128xf32> to vector<8x128xf32>
      %jit3A_278 = arith.constant 0.000000e+00 : f32
      %broadcast_in_dim3A_279 = vector.shape_cast %eq3A_272 : vector<8x1xi1> to vector<8x1xi1>
      %broadcast_in_dim3A_280 = vector.broadcast %broadcast_in_dim3A_279 : vector<8x1xi1> to vector<8x128xi1>
      %broadcast_in_dim3A_281 = vector.broadcast %jit3A_278 : f32 to vector<8x128xf32>
      %select_n3A_282 = arith.select %broadcast_in_dim3A_280, %get3A_277, %broadcast_in_dim3A_281 : vector<8x128xi1>, vector<8x128xf32>
      %reduce_sum3A_283 = arith.constant dense<0.000000e+00> : vector<128xf32>
      %reduce_sum3A_284 = vector.multi_reduction <add>, %select_n3A_282, %reduce_sum3A_283 [0] : vector<8x128xf32> to vector<128xf32>
      %get3A_285 = arith.constant 6 : index
      %get3A_286 = arith.constant 0 : index
      %get3A_287 = memref.load %arg1[%get3A_285, %get3A_286] : memref<32x16xi32, #tpu.memory_space<smem>>
      %jit3A_288 = arith.constant 8 : i32
      %eq3A_289 = arith.constant 0 : i32
      %eq3A_290 = arith.cmpi eq, %jit3A_288, %eq3A_289 : i32
      %jit3A_291 = arith.constant 1 : i32
      %select_n3A_292 = arith.select %eq3A_290, %jit3A_291, %jit3A_288 : i32
      %rem3A_293 = arith.remsi %get3A_287, %select_n3A_292 : i32
      %ne3A_294 = arith.constant 0 : i32
      %ne3A_295 = arith.cmpi ne, %rem3A_293, %ne3A_294 : i32
      %lt3A_296 = arith.constant 0 : i32
      %lt3A_297 = arith.cmpi slt, %rem3A_293, %lt3A_296 : i32
      %lt3A_298 = arith.constant 0 : i32
      %lt3A_299 = arith.cmpi slt, %select_n3A_292, %lt3A_298 : i32
      %ne3A_300 = arith.xori %lt3A_297, %lt3A_299 : i1
      %and3A_301 = arith.andi %ne3A_300, %ne3A_295 : i1
      %add3A_302 = arith.addi %rem3A_293, %select_n3A_292 : i32
      %select_n3A_303 = arith.select %and3A_301, %add3A_302, %rem3A_293 : i32
      %iota3A_304 = tpu.iota {dimensions = array<i32: 0>} : vector<8x1xi32>
      %eq3A_305 = vector.broadcast %select_n3A_303 : i32 to vector<8x1xi32>
      %eq3A_306 = arith.cmpi eq, %iota3A_304, %eq3A_305 : vector<8x1xi32>
      %get3A_307 = arith.constant 6 : index
      %get3A_308 = arith.constant 0 : index
      %get3A_309 = arith.constant 0 : index
      %get3A_310 = vector.load %arg7[%get3A_307, %get3A_308, %get3A_309] : memref<32x8x128xf32, #tpu.memory_space<vmem>>, vector<1x8x128xf32>
      %get3A_311 = vector.shape_cast %get3A_310 : vector<1x8x128xf32> to vector<8x128xf32>
      %jit3A_312 = arith.constant 0.000000e+00 : f32
      %broadcast_in_dim3A_313 = vector.shape_cast %eq3A_306 : vector<8x1xi1> to vector<8x1xi1>
      %broadcast_in_dim3A_314 = vector.broadcast %broadcast_in_dim3A_313 : vector<8x1xi1> to vector<8x128xi1>
      %broadcast_in_dim3A_315 = vector.broadcast %jit3A_312 : f32 to vector<8x128xf32>
      %select_n3A_316 = arith.select %broadcast_in_dim3A_314, %get3A_311, %broadcast_in_dim3A_315 : vector<8x128xi1>, vector<8x128xf32>
      %reduce_sum3A_317 = arith.constant dense<0.000000e+00> : vector<128xf32>
      %reduce_sum3A_318 = vector.multi_reduction <add>, %select_n3A_316, %reduce_sum3A_317 [0] : vector<8x128xf32> to vector<128xf32>
      %get3A_319 = arith.constant 7 : index
      %get3A_320 = arith.constant 0 : index
      %get3A_321 = memref.load %arg1[%get3A_319, %get3A_320] : memref<32x16xi32, #tpu.memory_space<smem>>
      %jit3A_322 = arith.constant 8 : i32
      %eq3A_323 = arith.constant 0 : i32
      %eq3A_324 = arith.cmpi eq, %jit3A_322, %eq3A_323 : i32
      %jit3A_325 = arith.constant 1 : i32
      %select_n3A_326 = arith.select %eq3A_324, %jit3A_325, %jit3A_322 : i32
      %rem3A_327 = arith.remsi %get3A_321, %select_n3A_326 : i32
      %ne3A_328 = arith.constant 0 : i32
      %ne3A_329 = arith.cmpi ne, %rem3A_327, %ne3A_328 : i32
      %lt3A_330 = arith.constant 0 : i32
      %lt3A_331 = arith.cmpi slt, %rem3A_327, %lt3A_330 : i32
      %lt3A_332 = arith.constant 0 : i32
      %lt3A_333 = arith.cmpi slt, %select_n3A_326, %lt3A_332 : i32
      %ne3A_334 = arith.xori %lt3A_331, %lt3A_333 : i1
      %and3A_335 = arith.andi %ne3A_334, %ne3A_329 : i1
      %add3A_336 = arith.addi %rem3A_327, %select_n3A_326 : i32
      %select_n3A_337 = arith.select %and3A_335, %add3A_336, %rem3A_327 : i32
      %iota3A_338 = tpu.iota {dimensions = array<i32: 0>} : vector<8x1xi32>
      %eq3A_339 = vector.broadcast %select_n3A_337 : i32 to vector<8x1xi32>
      %eq3A_340 = arith.cmpi eq, %iota3A_338, %eq3A_339 : vector<8x1xi32>
      %get3A_341 = arith.constant 7 : index
      %get3A_342 = arith.constant 0 : index
      %get3A_343 = arith.constant 0 : index
      %get3A_344 = vector.load %arg7[%get3A_341, %get3A_342, %get3A_343] : memref<32x8x128xf32, #tpu.memory_space<vmem>>, vector<1x8x128xf32>
      %get3A_345 = vector.shape_cast %get3A_344 : vector<1x8x128xf32> to vector<8x128xf32>
      %jit3A_346 = arith.constant 0.000000e+00 : f32
      %broadcast_in_dim3A_347 = vector.shape_cast %eq3A_340 : vector<8x1xi1> to vector<8x1xi1>
      %broadcast_in_dim3A_348 = vector.broadcast %broadcast_in_dim3A_347 : vector<8x1xi1> to vector<8x128xi1>
      %broadcast_in_dim3A_349 = vector.broadcast %jit3A_346 : f32 to vector<8x128xf32>
      %select_n3A_350 = arith.select %broadcast_in_dim3A_348, %get3A_345, %broadcast_in_dim3A_349 : vector<8x128xi1>, vector<8x128xf32>
      %reduce_sum3A_351 = arith.constant dense<0.000000e+00> : vector<128xf32>
      %reduce_sum3A_352 = vector.multi_reduction <add>, %select_n3A_350, %reduce_sum3A_351 [0] : vector<8x128xf32> to vector<128xf32>
      %get3A_353 = arith.constant 8 : index
      %get3A_354 = arith.constant 0 : index
      %get3A_355 = memref.load %arg1[%get3A_353, %get3A_354] : memref<32x16xi32, #tpu.memory_space<smem>>
      %jit3A_356 = arith.constant 8 : i32
      %eq3A_357 = arith.constant 0 : i32
      %eq3A_358 = arith.cmpi eq, %jit3A_356, %eq3A_357 : i32
      %jit3A_359 = arith.constant 1 : i32
      %select_n3A_360 = arith.select %eq3A_358, %jit3A_359, %jit3A_356 : i32
      %rem3A_361 = arith.remsi %get3A_355, %select_n3A_360 : i32
      %ne3A_362 = arith.constant 0 : i32
      %ne3A_363 = arith.cmpi ne, %rem3A_361, %ne3A_362 : i32
      %lt3A_364 = arith.constant 0 : i32
      %lt3A_365 = arith.cmpi slt, %rem3A_361, %lt3A_364 : i32
      %lt3A_366 = arith.constant 0 : i32
      %lt3A_367 = arith.cmpi slt, %select_n3A_360, %lt3A_366 : i32
      %ne3A_368 = arith.xori %lt3A_365, %lt3A_367 : i1
      %and3A_369 = arith.andi %ne3A_368, %ne3A_363 : i1
      %add3A_370 = arith.addi %rem3A_361, %select_n3A_360 : i32
      %select_n3A_371 = arith.select %and3A_369, %add3A_370, %rem3A_361 : i32
      %iota3A_372 = tpu.iota {dimensions = array<i32: 0>} : vector<8x1xi32>
      %eq3A_373 = vector.broadcast %select_n3A_371 : i32 to vector<8x1xi32>
      %eq3A_374 = arith.cmpi eq, %iota3A_372, %eq3A_373 : vector<8x1xi32>
      %get3A_375 = arith.constant 8 : index
      %get3A_376 = arith.constant 0 : index
      %get3A_377 = arith.constant 0 : index
      %get3A_378 = vector.load %arg7[%get3A_375, %get3A_376, %get3A_377] : memref<32x8x128xf32, #tpu.memory_space<vmem>>, vector<1x8x128xf32>
      %get3A_379 = vector.shape_cast %get3A_378 : vector<1x8x128xf32> to vector<8x128xf32>
      %jit3A_380 = arith.constant 0.000000e+00 : f32
      %broadcast_in_dim3A_381 = vector.shape_cast %eq3A_374 : vector<8x1xi1> to vector<8x1xi1>
      %broadcast_in_dim3A_382 = vector.broadcast %broadcast_in_dim3A_381 : vector<8x1xi1> to vector<8x128xi1>
      %broadcast_in_dim3A_383 = vector.broadcast %jit3A_380 : f32 to vector<8x128xf32>
      %select_n3A_384 = arith.select %broadcast_in_dim3A_382, %get3A_379, %broadcast_in_dim3A_383 : vector<8x128xi1>, vector<8x128xf32>
      %reduce_sum3A_385 = arith.constant dense<0.000000e+00> : vector<128xf32>
      %reduce_sum3A_386 = vector.multi_reduction <add>, %select_n3A_384, %reduce_sum3A_385 [0] : vector<8x128xf32> to vector<128xf32>
      %get3A_387 = arith.constant 9 : index
      %get3A_388 = arith.constant 0 : index
      %get3A_389 = memref.load %arg1[%get3A_387, %get3A_388] : memref<32x16xi32, #tpu.memory_space<smem>>
      %jit3A_390 = arith.constant 8 : i32
      %eq3A_391 = arith.constant 0 : i32
      %eq3A_392 = arith.cmpi eq, %jit3A_390, %eq3A_391 : i32
      %jit3A_393 = arith.constant 1 : i32
      %select_n3A_394 = arith.select %eq3A_392, %jit3A_393, %jit3A_390 : i32
      %rem3A_395 = arith.remsi %get3A_389, %select_n3A_394 : i32
      %ne3A_396 = arith.constant 0 : i32
      %ne3A_397 = arith.cmpi ne, %rem3A_395, %ne3A_396 : i32
      %lt3A_398 = arith.constant 0 : i32
      %lt3A_399 = arith.cmpi slt, %rem3A_395, %lt3A_398 : i32
      %lt3A_400 = arith.constant 0 : i32
      %lt3A_401 = arith.cmpi slt, %select_n3A_394, %lt3A_400 : i32
      %ne3A_402 = arith.xori %lt3A_399, %lt3A_401 : i1
      %and3A_403 = arith.andi %ne3A_402, %ne3A_397 : i1
      %add3A_404 = arith.addi %rem3A_395, %select_n3A_394 : i32
      %select_n3A_405 = arith.select %and3A_403, %add3A_404, %rem3A_395 : i32
      %iota3A_406 = tpu.iota {dimensions = array<i32: 0>} : vector<8x1xi32>
      %eq3A_407 = vector.broadcast %select_n3A_405 : i32 to vector<8x1xi32>
      %eq3A_408 = arith.cmpi eq, %iota3A_406, %eq3A_407 : vector<8x1xi32>
      %get3A_409 = arith.constant 9 : index
      %get3A_410 = arith.constant 0 : index
      %get3A_411 = arith.constant 0 : index
      %get3A_412 = vector.load %arg7[%get3A_409, %get3A_410, %get3A_411] : memref<32x8x128xf32, #tpu.memory_space<vmem>>, vector<1x8x128xf32>
      %get3A_413 = vector.shape_cast %get3A_412 : vector<1x8x128xf32> to vector<8x128xf32>
      %jit3A_414 = arith.constant 0.000000e+00 : f32
      %broadcast_in_dim3A_415 = vector.shape_cast %eq3A_408 : vector<8x1xi1> to vector<8x1xi1>
      %broadcast_in_dim3A_416 = vector.broadcast %broadcast_in_dim3A_415 : vector<8x1xi1> to vector<8x128xi1>
      %broadcast_in_dim3A_417 = vector.broadcast %jit3A_414 : f32 to vector<8x128xf32>
      %select_n3A_418 = arith.select %broadcast_in_dim3A_416, %get3A_413, %broadcast_in_dim3A_417 : vector<8x128xi1>, vector<8x128xf32>
      %reduce_sum3A_419 = arith.constant dense<0.000000e+00> : vector<128xf32>
      %reduce_sum3A_420 = vector.multi_reduction <add>, %select_n3A_418, %reduce_sum3A_419 [0] : vector<8x128xf32> to vector<128xf32>
      %get3A_421 = arith.constant 10 : index
      %get3A_422 = arith.constant 0 : index
      %get3A_423 = memref.load %arg1[%get3A_421, %get3A_422] : memref<32x16xi32, #tpu.memory_space<smem>>
      %jit3A_424 = arith.constant 8 : i32
      %eq3A_425 = arith.constant 0 : i32
      %eq3A_426 = arith.cmpi eq, %jit3A_424, %eq3A_425 : i32
      %jit3A_427 = arith.constant 1 : i32
      %select_n3A_428 = arith.select %eq3A_426, %jit3A_427, %jit3A_424 : i32
      %rem3A_429 = arith.remsi %get3A_423, %select_n3A_428 : i32
      %ne3A_430 = arith.constant 0 : i32
      %ne3A_431 = arith.cmpi ne, %rem3A_429, %ne3A_430 : i32
      %lt3A_432 = arith.constant 0 : i32
      %lt3A_433 = arith.cmpi slt, %rem3A_429, %lt3A_432 : i32
      %lt3A_434 = arith.constant 0 : i32
      %lt3A_435 = arith.cmpi slt, %select_n3A_428, %lt3A_434 : i32
      %ne3A_436 = arith.xori %lt3A_433, %lt3A_435 : i1
      %and3A_437 = arith.andi %ne3A_436, %ne3A_431 : i1
      %add3A_438 = arith.addi %rem3A_429, %select_n3A_428 : i32
      %select_n3A_439 = arith.select %and3A_437, %add3A_438, %rem3A_429 : i32
      %iota3A_440 = tpu.iota {dimensions = array<i32: 0>} : vector<8x1xi32>
      %eq3A_441 = vector.broadcast %select_n3A_439 : i32 to vector<8x1xi32>
      %eq3A_442 = arith.cmpi eq, %iota3A_440, %eq3A_441 : vector<8x1xi32>
      %get3A_443 = arith.constant 10 : index
      %get3A_444 = arith.constant 0 : index
      %get3A_445 = arith.constant 0 : index
      %get3A_446 = vector.load %arg7[%get3A_443, %get3A_444, %get3A_445] : memref<32x8x128xf32, #tpu.memory_space<vmem>>, vector<1x8x128xf32>
      %get3A_447 = vector.shape_cast %get3A_446 : vector<1x8x128xf32> to vector<8x128xf32>
      %jit3A_448 = arith.constant 0.000000e+00 : f32
      %broadcast_in_dim3A_449 = vector.shape_cast %eq3A_442 : vector<8x1xi1> to vector<8x1xi1>
      %broadcast_in_dim3A_450 = vector.broadcast %broadcast_in_dim3A_449 : vector<8x1xi1> to vector<8x128xi1>
      %broadcast_in_dim3A_451 = vector.broadcast %jit3A_448 : f32 to vector<8x128xf32>
      %select_n3A_452 = arith.select %broadcast_in_dim3A_450, %get3A_447, %broadcast_in_dim3A_451 : vector<8x128xi1>, vector<8x128xf32>
      %reduce_sum3A_453 = arith.constant dense<0.000000e+00> : vector<128xf32>
      %reduce_sum3A_454 = vector.multi_reduction <add>, %select_n3A_452, %reduce_sum3A_453 [0] : vector<8x128xf32> to vector<128xf32>
      %get3A_455 = arith.constant 11 : index
      %get3A_456 = arith.constant 0 : index
      %get3A_457 = memref.load %arg1[%get3A_455, %get3A_456] : memref<32x16xi32, #tpu.memory_space<smem>>
      %jit3A_458 = arith.constant 8 : i32
      %eq3A_459 = arith.constant 0 : i32
      %eq3A_460 = arith.cmpi eq, %jit3A_458, %eq3A_459 : i32
      %jit3A_461 = arith.constant 1 : i32
      %select_n3A_462 = arith.select %eq3A_460, %jit3A_461, %jit3A_458 : i32
      %rem3A_463 = arith.remsi %get3A_457, %select_n3A_462 : i32
      %ne3A_464 = arith.constant 0 : i32
      %ne3A_465 = arith.cmpi ne, %rem3A_463, %ne3A_464 : i32
      %lt3A_466 = arith.constant 0 : i32
      %lt3A_467 = arith.cmpi slt, %rem3A_463, %lt3A_466 : i32
      %lt3A_468 = arith.constant 0 : i32
      %lt3A_469 = arith.cmpi slt, %select_n3A_462, %lt3A_468 : i32
      %ne3A_470 = arith.xori %lt3A_467, %lt3A_469 : i1
      %and3A_471 = arith.andi %ne3A_470, %ne3A_465 : i1
      %add3A_472 = arith.addi %rem3A_463, %select_n3A_462 : i32
      %select_n3A_473 = arith.select %and3A_471, %add3A_472, %rem3A_463 : i32
      %iota3A_474 = tpu.iota {dimensions = array<i32: 0>} : vector<8x1xi32>
      %eq3A_475 = vector.broadcast %select_n3A_473 : i32 to vector<8x1xi32>
      %eq3A_476 = arith.cmpi eq, %iota3A_474, %eq3A_475 : vector<8x1xi32>
      %get3A_477 = arith.constant 11 : index
      %get3A_478 = arith.constant 0 : index
      %get3A_479 = arith.constant 0 : index
      %get3A_480 = vector.load %arg7[%get3A_477, %get3A_478, %get3A_479] : memref<32x8x128xf32, #tpu.memory_space<vmem>>, vector<1x8x128xf32>
      %get3A_481 = vector.shape_cast %get3A_480 : vector<1x8x128xf32> to vector<8x128xf32>
      %jit3A_482 = arith.constant 0.000000e+00 : f32
      %broadcast_in_dim3A_483 = vector.shape_cast %eq3A_476 : vector<8x1xi1> to vector<8x1xi1>
      %broadcast_in_dim3A_484 = vector.broadcast %broadcast_in_dim3A_483 : vector<8x1xi1> to vector<8x128xi1>
      %broadcast_in_dim3A_485 = vector.broadcast %jit3A_482 : f32 to vector<8x128xf32>
      %select_n3A_486 = arith.select %broadcast_in_dim3A_484, %get3A_481, %broadcast_in_dim3A_485 : vector<8x128xi1>, vector<8x128xf32>
      %reduce_sum3A_487 = arith.constant dense<0.000000e+00> : vector<128xf32>
      %reduce_sum3A_488 = vector.multi_reduction <add>, %select_n3A_486, %reduce_sum3A_487 [0] : vector<8x128xf32> to vector<128xf32>
      %get3A_489 = arith.constant 12 : index
      %get3A_490 = arith.constant 0 : index
      %get3A_491 = memref.load %arg1[%get3A_489, %get3A_490] : memref<32x16xi32, #tpu.memory_space<smem>>
      %jit3A_492 = arith.constant 8 : i32
      %eq3A_493 = arith.constant 0 : i32
      %eq3A_494 = arith.cmpi eq, %jit3A_492, %eq3A_493 : i32
      %jit3A_495 = arith.constant 1 : i32
      %select_n3A_496 = arith.select %eq3A_494, %jit3A_495, %jit3A_492 : i32
      %rem3A_497 = arith.remsi %get3A_491, %select_n3A_496 : i32
      %ne3A_498 = arith.constant 0 : i32
      %ne3A_499 = arith.cmpi ne, %rem3A_497, %ne3A_498 : i32
      %lt3A_500 = arith.constant 0 : i32
      %lt3A_501 = arith.cmpi slt, %rem3A_497, %lt3A_500 : i32
      %lt3A_502 = arith.constant 0 : i32
      %lt3A_503 = arith.cmpi slt, %select_n3A_496, %lt3A_502 : i32
      %ne3A_504 = arith.xori %lt3A_501, %lt3A_503 : i1
      %and3A_505 = arith.andi %ne3A_504, %ne3A_499 : i1
      %add3A_506 = arith.addi %rem3A_497, %select_n3A_496 : i32
      %select_n3A_507 = arith.select %and3A_505, %add3A_506, %rem3A_497 : i32
      %iota3A_508 = tpu.iota {dimensions = array<i32: 0>} : vector<8x1xi32>
      %eq3A_509 = vector.broadcast %select_n3A_507 : i32 to vector<8x1xi32>
      %eq3A_510 = arith.cmpi eq, %iota3A_508, %eq3A_509 : vector<8x1xi32>
      %get3A_511 = arith.constant 12 : index
      %get3A_512 = arith.constant 0 : index
      %get3A_513 = arith.constant 0 : index
      %get3A_514 = vector.load %arg7[%get3A_511, %get3A_512, %get3A_513] : memref<32x8x128xf32, #tpu.memory_space<vmem>>, vector<1x8x128xf32>
      %get3A_515 = vector.shape_cast %get3A_514 : vector<1x8x128xf32> to vector<8x128xf32>
      %jit3A_516 = arith.constant 0.000000e+00 : f32
      %broadcast_in_dim3A_517 = vector.shape_cast %eq3A_510 : vector<8x1xi1> to vector<8x1xi1>
      %broadcast_in_dim3A_518 = vector.broadcast %broadcast_in_dim3A_517 : vector<8x1xi1> to vector<8x128xi1>
      %broadcast_in_dim3A_519 = vector.broadcast %jit3A_516 : f32 to vector<8x128xf32>
      %select_n3A_520 = arith.select %broadcast_in_dim3A_518, %get3A_515, %broadcast_in_dim3A_519 : vector<8x128xi1>, vector<8x128xf32>
      %reduce_sum3A_521 = arith.constant dense<0.000000e+00> : vector<128xf32>
      %reduce_sum3A_522 = vector.multi_reduction <add>, %select_n3A_520, %reduce_sum3A_521 [0] : vector<8x128xf32> to vector<128xf32>
      %get3A_523 = arith.constant 13 : index
      %get3A_524 = arith.constant 0 : index
      %get3A_525 = memref.load %arg1[%get3A_523, %get3A_524] : memref<32x16xi32, #tpu.memory_space<smem>>
      %jit3A_526 = arith.constant 8 : i32
      %eq3A_527 = arith.constant 0 : i32
      %eq3A_528 = arith.cmpi eq, %jit3A_526, %eq3A_527 : i32
      %jit3A_529 = arith.constant 1 : i32
      %select_n3A_530 = arith.select %eq3A_528, %jit3A_529, %jit3A_526 : i32
      %rem3A_531 = arith.remsi %get3A_525, %select_n3A_530 : i32
      %ne3A_532 = arith.constant 0 : i32
      %ne3A_533 = arith.cmpi ne, %rem3A_531, %ne3A_532 : i32
      %lt3A_534 = arith.constant 0 : i32
      %lt3A_535 = arith.cmpi slt, %rem3A_531, %lt3A_534 : i32
      %lt3A_536 = arith.constant 0 : i32
      %lt3A_537 = arith.cmpi slt, %select_n3A_530, %lt3A_536 : i32
      %ne3A_538 = arith.xori %lt3A_535, %lt3A_537 : i1
      %and3A_539 = arith.andi %ne3A_538, %ne3A_533 : i1
      %add3A_540 = arith.addi %rem3A_531, %select_n3A_530 : i32
      %select_n3A_541 = arith.select %and3A_539, %add3A_540, %rem3A_531 : i32
      %iota3A_542 = tpu.iota {dimensions = array<i32: 0>} : vector<8x1xi32>
      %eq3A_543 = vector.broadcast %select_n3A_541 : i32 to vector<8x1xi32>
      %eq3A_544 = arith.cmpi eq, %iota3A_542, %eq3A_543 : vector<8x1xi32>
      %get3A_545 = arith.constant 13 : index
      %get3A_546 = arith.constant 0 : index
      %get3A_547 = arith.constant 0 : index
      %get3A_548 = vector.load %arg7[%get3A_545, %get3A_546, %get3A_547] : memref<32x8x128xf32, #tpu.memory_space<vmem>>, vector<1x8x128xf32>
      %get3A_549 = vector.shape_cast %get3A_548 : vector<1x8x128xf32> to vector<8x128xf32>
      %jit3A_550 = arith.constant 0.000000e+00 : f32
      %broadcast_in_dim3A_551 = vector.shape_cast %eq3A_544 : vector<8x1xi1> to vector<8x1xi1>
      %broadcast_in_dim3A_552 = vector.broadcast %broadcast_in_dim3A_551 : vector<8x1xi1> to vector<8x128xi1>
      %broadcast_in_dim3A_553 = vector.broadcast %jit3A_550 : f32 to vector<8x128xf32>
      %select_n3A_554 = arith.select %broadcast_in_dim3A_552, %get3A_549, %broadcast_in_dim3A_553 : vector<8x128xi1>, vector<8x128xf32>
      %reduce_sum3A_555 = arith.constant dense<0.000000e+00> : vector<128xf32>
      %reduce_sum3A_556 = vector.multi_reduction <add>, %select_n3A_554, %reduce_sum3A_555 [0] : vector<8x128xf32> to vector<128xf32>
      %get3A_557 = arith.constant 14 : index
      %get3A_558 = arith.constant 0 : index
      %get3A_559 = memref.load %arg1[%get3A_557, %get3A_558] : memref<32x16xi32, #tpu.memory_space<smem>>
      %jit3A_560 = arith.constant 8 : i32
      %eq3A_561 = arith.constant 0 : i32
      %eq3A_562 = arith.cmpi eq, %jit3A_560, %eq3A_561 : i32
      %jit3A_563 = arith.constant 1 : i32
      %select_n3A_564 = arith.select %eq3A_562, %jit3A_563, %jit3A_560 : i32
      %rem3A_565 = arith.remsi %get3A_559, %select_n3A_564 : i32
      %ne3A_566 = arith.constant 0 : i32
      %ne3A_567 = arith.cmpi ne, %rem3A_565, %ne3A_566 : i32
      %lt3A_568 = arith.constant 0 : i32
      %lt3A_569 = arith.cmpi slt, %rem3A_565, %lt3A_568 : i32
      %lt3A_570 = arith.constant 0 : i32
      %lt3A_571 = arith.cmpi slt, %select_n3A_564, %lt3A_570 : i32
      %ne3A_572 = arith.xori %lt3A_569, %lt3A_571 : i1
      %and3A_573 = arith.andi %ne3A_572, %ne3A_567 : i1
      %add3A_574 = arith.addi %rem3A_565, %select_n3A_564 : i32
      %select_n3A_575 = arith.select %and3A_573, %add3A_574, %rem3A_565 : i32
      %iota3A_576 = tpu.iota {dimensions = array<i32: 0>} : vector<8x1xi32>
      %eq3A_577 = vector.broadcast %select_n3A_575 : i32 to vector<8x1xi32>
      %eq3A_578 = arith.cmpi eq, %iota3A_576, %eq3A_577 : vector<8x1xi32>
      %get3A_579 = arith.constant 14 : index
      %get3A_580 = arith.constant 0 : index
      %get3A_581 = arith.constant 0 : index
      %get3A_582 = vector.load %arg7[%get3A_579, %get3A_580, %get3A_581] : memref<32x8x128xf32, #tpu.memory_space<vmem>>, vector<1x8x128xf32>
      %get3A_583 = vector.shape_cast %get3A_582 : vector<1x8x128xf32> to vector<8x128xf32>
      %jit3A_584 = arith.constant 0.000000e+00 : f32
      %broadcast_in_dim3A_585 = vector.shape_cast %eq3A_578 : vector<8x1xi1> to vector<8x1xi1>
      %broadcast_in_dim3A_586 = vector.broadcast %broadcast_in_dim3A_585 : vector<8x1xi1> to vector<8x128xi1>
      %broadcast_in_dim3A_587 = vector.broadcast %jit3A_584 : f32 to vector<8x128xf32>
      %select_n3A_588 = arith.select %broadcast_in_dim3A_586, %get3A_583, %broadcast_in_dim3A_587 : vector<8x128xi1>, vector<8x128xf32>
      %reduce_sum3A_589 = arith.constant dense<0.000000e+00> : vector<128xf32>
      %reduce_sum3A_590 = vector.multi_reduction <add>, %select_n3A_588, %reduce_sum3A_589 [0] : vector<8x128xf32> to vector<128xf32>
      %get3A_591 = arith.constant 15 : index
      %get3A_592 = arith.constant 0 : index
      %get3A_593 = memref.load %arg1[%get3A_591, %get3A_592] : memref<32x16xi32, #tpu.memory_space<smem>>
      %jit3A_594 = arith.constant 8 : i32
      %eq3A_595 = arith.constant 0 : i32
      %eq3A_596 = arith.cmpi eq, %jit3A_594, %eq3A_595 : i32
      %jit3A_597 = arith.constant 1 : i32
      %select_n3A_598 = arith.select %eq3A_596, %jit3A_597, %jit3A_594 : i32
      %rem3A_599 = arith.remsi %get3A_593, %select_n3A_598 : i32
      %ne3A_600 = arith.constant 0 : i32
      %ne3A_601 = arith.cmpi ne, %rem3A_599, %ne3A_600 : i32
      %lt3A_602 = arith.constant 0 : i32
      %lt3A_603 = arith.cmpi slt, %rem3A_599, %lt3A_602 : i32
      %lt3A_604 = arith.constant 0 : i32
      %lt3A_605 = arith.cmpi slt, %select_n3A_598, %lt3A_604 : i32
      %ne3A_606 = arith.xori %lt3A_603, %lt3A_605 : i1
      %and3A_607 = arith.andi %ne3A_606, %ne3A_601 : i1
      %add3A_608 = arith.addi %rem3A_599, %select_n3A_598 : i32
      %select_n3A_609 = arith.select %and3A_607, %add3A_608, %rem3A_599 : i32
      %iota3A_610 = tpu.iota {dimensions = array<i32: 0>} : vector<8x1xi32>
      %eq3A_611 = vector.broadcast %select_n3A_609 : i32 to vector<8x1xi32>
      %eq3A_612 = arith.cmpi eq, %iota3A_610, %eq3A_611 : vector<8x1xi32>
      %get3A_613 = arith.constant 15 : index
      %get3A_614 = arith.constant 0 : index
      %get3A_615 = arith.constant 0 : index
      %get3A_616 = vector.load %arg7[%get3A_613, %get3A_614, %get3A_615] : memref<32x8x128xf32, #tpu.memory_space<vmem>>, vector<1x8x128xf32>
      %get3A_617 = vector.shape_cast %get3A_616 : vector<1x8x128xf32> to vector<8x128xf32>
      %jit3A_618 = arith.constant 0.000000e+00 : f32
      %broadcast_in_dim3A_619 = vector.shape_cast %eq3A_612 : vector<8x1xi1> to vector<8x1xi1>
      %broadcast_in_dim3A_620 = vector.broadcast %broadcast_in_dim3A_619 : vector<8x1xi1> to vector<8x128xi1>
      %broadcast_in_dim3A_621 = vector.broadcast %jit3A_618 : f32 to vector<8x128xf32>
      %select_n3A_622 = arith.select %broadcast_in_dim3A_620, %get3A_617, %broadcast_in_dim3A_621 : vector<8x128xi1>, vector<8x128xf32>
      %reduce_sum3A_623 = arith.constant dense<0.000000e+00> : vector<128xf32>
      %reduce_sum3A_624 = vector.multi_reduction <add>, %select_n3A_622, %reduce_sum3A_623 [0] : vector<8x128xf32> to vector<128xf32>
      %get3A_625 = arith.constant 16 : index
      %get3A_626 = arith.constant 0 : index
      %get3A_627 = memref.load %arg1[%get3A_625, %get3A_626] : memref<32x16xi32, #tpu.memory_space<smem>>
      %jit3A_628 = arith.constant 8 : i32
      %eq3A_629 = arith.constant 0 : i32
      %eq3A_630 = arith.cmpi eq, %jit3A_628, %eq3A_629 : i32
      %jit3A_631 = arith.constant 1 : i32
      %select_n3A_632 = arith.select %eq3A_630, %jit3A_631, %jit3A_628 : i32
      %rem3A_633 = arith.remsi %get3A_627, %select_n3A_632 : i32
      %ne3A_634 = arith.constant 0 : i32
      %ne3A_635 = arith.cmpi ne, %rem3A_633, %ne3A_634 : i32
      %lt3A_636 = arith.constant 0 : i32
      %lt3A_637 = arith.cmpi slt, %rem3A_633, %lt3A_636 : i32
      %lt3A_638 = arith.constant 0 : i32
      %lt3A_639 = arith.cmpi slt, %select_n3A_632, %lt3A_638 : i32
      %ne3A_640 = arith.xori %lt3A_637, %lt3A_639 : i1
      %and3A_641 = arith.andi %ne3A_640, %ne3A_635 : i1
      %add3A_642 = arith.addi %rem3A_633, %select_n3A_632 : i32
      %select_n3A_643 = arith.select %and3A_641, %add3A_642, %rem3A_633 : i32
      %iota3A_644 = tpu.iota {dimensions = array<i32: 0>} : vector<8x1xi32>
      %eq3A_645 = vector.broadcast %select_n3A_643 : i32 to vector<8x1xi32>
      %eq3A_646 = arith.cmpi eq, %iota3A_644, %eq3A_645 : vector<8x1xi32>
      %get3A_647 = arith.constant 16 : index
      %get3A_648 = arith.constant 0 : index
      %get3A_649 = arith.constant 0 : index
      %get3A_650 = vector.load %arg7[%get3A_647, %get3A_648, %get3A_649] : memref<32x8x128xf32, #tpu.memory_space<vmem>>, vector<1x8x128xf32>
      %get3A_651 = vector.shape_cast %get3A_650 : vector<1x8x128xf32> to vector<8x128xf32>
      %jit3A_652 = arith.constant 0.000000e+00 : f32
      %broadcast_in_dim3A_653 = vector.shape_cast %eq3A_646 : vector<8x1xi1> to vector<8x1xi1>
      %broadcast_in_dim3A_654 = vector.broadcast %broadcast_in_dim3A_653 : vector<8x1xi1> to vector<8x128xi1>
      %broadcast_in_dim3A_655 = vector.broadcast %jit3A_652 : f32 to vector<8x128xf32>
      %select_n3A_656 = arith.select %broadcast_in_dim3A_654, %get3A_651, %broadcast_in_dim3A_655 : vector<8x128xi1>, vector<8x128xf32>
      %reduce_sum3A_657 = arith.constant dense<0.000000e+00> : vector<128xf32>
      %reduce_sum3A_658 = vector.multi_reduction <add>, %select_n3A_656, %reduce_sum3A_657 [0] : vector<8x128xf32> to vector<128xf32>
      %get3A_659 = arith.constant 17 : index
      %get3A_660 = arith.constant 0 : index
      %get3A_661 = memref.load %arg1[%get3A_659, %get3A_660] : memref<32x16xi32, #tpu.memory_space<smem>>
      %jit3A_662 = arith.constant 8 : i32
      %eq3A_663 = arith.constant 0 : i32
      %eq3A_664 = arith.cmpi eq, %jit3A_662, %eq3A_663 : i32
      %jit3A_665 = arith.constant 1 : i32
      %select_n3A_666 = arith.select %eq3A_664, %jit3A_665, %jit3A_662 : i32
      %rem3A_667 = arith.remsi %get3A_661, %select_n3A_666 : i32
      %ne3A_668 = arith.constant 0 : i32
      %ne3A_669 = arith.cmpi ne, %rem3A_667, %ne3A_668 : i32
      %lt3A_670 = arith.constant 0 : i32
      %lt3A_671 = arith.cmpi slt, %rem3A_667, %lt3A_670 : i32
      %lt3A_672 = arith.constant 0 : i32
      %lt3A_673 = arith.cmpi slt, %select_n3A_666, %lt3A_672 : i32
      %ne3A_674 = arith.xori %lt3A_671, %lt3A_673 : i1
      %and3A_675 = arith.andi %ne3A_674, %ne3A_669 : i1
      %add3A_676 = arith.addi %rem3A_667, %select_n3A_666 : i32
      %select_n3A_677 = arith.select %and3A_675, %add3A_676, %rem3A_667 : i32
      %iota3A_678 = tpu.iota {dimensions = array<i32: 0>} : vector<8x1xi32>
      %eq3A_679 = vector.broadcast %select_n3A_677 : i32 to vector<8x1xi32>
      %eq3A_680 = arith.cmpi eq, %iota3A_678, %eq3A_679 : vector<8x1xi32>
      %get3A_681 = arith.constant 17 : index
      %get3A_682 = arith.constant 0 : index
      %get3A_683 = arith.constant 0 : index
      %get3A_684 = vector.load %arg7[%get3A_681, %get3A_682, %get3A_683] : memref<32x8x128xf32, #tpu.memory_space<vmem>>, vector<1x8x128xf32>
      %get3A_685 = vector.shape_cast %get3A_684 : vector<1x8x128xf32> to vector<8x128xf32>
      %jit3A_686 = arith.constant 0.000000e+00 : f32
      %broadcast_in_dim3A_687 = vector.shape_cast %eq3A_680 : vector<8x1xi1> to vector<8x1xi1>
      %broadcast_in_dim3A_688 = vector.broadcast %broadcast_in_dim3A_687 : vector<8x1xi1> to vector<8x128xi1>
      %broadcast_in_dim3A_689 = vector.broadcast %jit3A_686 : f32 to vector<8x128xf32>
      %select_n3A_690 = arith.select %broadcast_in_dim3A_688, %get3A_685, %broadcast_in_dim3A_689 : vector<8x128xi1>, vector<8x128xf32>
      %reduce_sum3A_691 = arith.constant dense<0.000000e+00> : vector<128xf32>
      %reduce_sum3A_692 = vector.multi_reduction <add>, %select_n3A_690, %reduce_sum3A_691 [0] : vector<8x128xf32> to vector<128xf32>
      %get3A_693 = arith.constant 18 : index
      %get3A_694 = arith.constant 0 : index
      %get3A_695 = memref.load %arg1[%get3A_693, %get3A_694] : memref<32x16xi32, #tpu.memory_space<smem>>
      %jit3A_696 = arith.constant 8 : i32
      %eq3A_697 = arith.constant 0 : i32
      %eq3A_698 = arith.cmpi eq, %jit3A_696, %eq3A_697 : i32
      %jit3A_699 = arith.constant 1 : i32
      %select_n3A_700 = arith.select %eq3A_698, %jit3A_699, %jit3A_696 : i32
      %rem3A_701 = arith.remsi %get3A_695, %select_n3A_700 : i32
      %ne3A_702 = arith.constant 0 : i32
      %ne3A_703 = arith.cmpi ne, %rem3A_701, %ne3A_702 : i32
      %lt3A_704 = arith.constant 0 : i32
      %lt3A_705 = arith.cmpi slt, %rem3A_701, %lt3A_704 : i32
      %lt3A_706 = arith.constant 0 : i32
      %lt3A_707 = arith.cmpi slt, %select_n3A_700, %lt3A_706 : i32
      %ne3A_708 = arith.xori %lt3A_705, %lt3A_707 : i1
      %and3A_709 = arith.andi %ne3A_708, %ne3A_703 : i1
      %add3A_710 = arith.addi %rem3A_701, %select_n3A_700 : i32
      %select_n3A_711 = arith.select %and3A_709, %add3A_710, %rem3A_701 : i32
      %iota3A_712 = tpu.iota {dimensions = array<i32: 0>} : vector<8x1xi32>
      %eq3A_713 = vector.broadcast %select_n3A_711 : i32 to vector<8x1xi32>
      %eq3A_714 = arith.cmpi eq, %iota3A_712, %eq3A_713 : vector<8x1xi32>
      %get3A_715 = arith.constant 18 : index
      %get3A_716 = arith.constant 0 : index
      %get3A_717 = arith.constant 0 : index
      %get3A_718 = vector.load %arg7[%get3A_715, %get3A_716, %get3A_717] : memref<32x8x128xf32, #tpu.memory_space<vmem>>, vector<1x8x128xf32>
      %get3A_719 = vector.shape_cast %get3A_718 : vector<1x8x128xf32> to vector<8x128xf32>
      %jit3A_720 = arith.constant 0.000000e+00 : f32
      %broadcast_in_dim3A_721 = vector.shape_cast %eq3A_714 : vector<8x1xi1> to vector<8x1xi1>
      %broadcast_in_dim3A_722 = vector.broadcast %broadcast_in_dim3A_721 : vector<8x1xi1> to vector<8x128xi1>
      %broadcast_in_dim3A_723 = vector.broadcast %jit3A_720 : f32 to vector<8x128xf32>
      %select_n3A_724 = arith.select %broadcast_in_dim3A_722, %get3A_719, %broadcast_in_dim3A_723 : vector<8x128xi1>, vector<8x128xf32>
      %reduce_sum3A_725 = arith.constant dense<0.000000e+00> : vector<128xf32>
      %reduce_sum3A_726 = vector.multi_reduction <add>, %select_n3A_724, %reduce_sum3A_725 [0] : vector<8x128xf32> to vector<128xf32>
      %get3A_727 = arith.constant 19 : index
      %get3A_728 = arith.constant 0 : index
      %get3A_729 = memref.load %arg1[%get3A_727, %get3A_728] : memref<32x16xi32, #tpu.memory_space<smem>>
      %jit3A_730 = arith.constant 8 : i32
      %eq3A_731 = arith.constant 0 : i32
      %eq3A_732 = arith.cmpi eq, %jit3A_730, %eq3A_731 : i32
      %jit3A_733 = arith.constant 1 : i32
      %select_n3A_734 = arith.select %eq3A_732, %jit3A_733, %jit3A_730 : i32
      %rem3A_735 = arith.remsi %get3A_729, %select_n3A_734 : i32
      %ne3A_736 = arith.constant 0 : i32
      %ne3A_737 = arith.cmpi ne, %rem3A_735, %ne3A_736 : i32
      %lt3A_738 = arith.constant 0 : i32
      %lt3A_739 = arith.cmpi slt, %rem3A_735, %lt3A_738 : i32
      %lt3A_740 = arith.constant 0 : i32
      %lt3A_741 = arith.cmpi slt, %select_n3A_734, %lt3A_740 : i32
      %ne3A_742 = arith.xori %lt3A_739, %lt3A_741 : i1
      %and3A_743 = arith.andi %ne3A_742, %ne3A_737 : i1
      %add3A_744 = arith.addi %rem3A_735, %select_n3A_734 : i32
      %select_n3A_745 = arith.select %and3A_743, %add3A_744, %rem3A_735 : i32
      %iota3A_746 = tpu.iota {dimensions = array<i32: 0>} : vector<8x1xi32>
      %eq3A_747 = vector.broadcast %select_n3A_745 : i32 to vector<8x1xi32>
      %eq3A_748 = arith.cmpi eq, %iota3A_746, %eq3A_747 : vector<8x1xi32>
      %get3A_749 = arith.constant 19 : index
      %get3A_750 = arith.constant 0 : index
      %get3A_751 = arith.constant 0 : index
      %get3A_752 = vector.load %arg7[%get3A_749, %get3A_750, %get3A_751] : memref<32x8x128xf32, #tpu.memory_space<vmem>>, vector<1x8x128xf32>
      %get3A_753 = vector.shape_cast %get3A_752 : vector<1x8x128xf32> to vector<8x128xf32>
      %jit3A_754 = arith.constant 0.000000e+00 : f32
      %broadcast_in_dim3A_755 = vector.shape_cast %eq3A_748 : vector<8x1xi1> to vector<8x1xi1>
      %broadcast_in_dim3A_756 = vector.broadcast %broadcast_in_dim3A_755 : vector<8x1xi1> to vector<8x128xi1>
      %broadcast_in_dim3A_757 = vector.broadcast %jit3A_754 : f32 to vector<8x128xf32>
      %select_n3A_758 = arith.select %broadcast_in_dim3A_756, %get3A_753, %broadcast_in_dim3A_757 : vector<8x128xi1>, vector<8x128xf32>
      %reduce_sum3A_759 = arith.constant dense<0.000000e+00> : vector<128xf32>
      %reduce_sum3A_760 = vector.multi_reduction <add>, %select_n3A_758, %reduce_sum3A_759 [0] : vector<8x128xf32> to vector<128xf32>
      %get3A_761 = arith.constant 20 : index
      %get3A_762 = arith.constant 0 : index
      %get3A_763 = memref.load %arg1[%get3A_761, %get3A_762] : memref<32x16xi32, #tpu.memory_space<smem>>
      %jit3A_764 = arith.constant 8 : i32
      %eq3A_765 = arith.constant 0 : i32
      %eq3A_766 = arith.cmpi eq, %jit3A_764, %eq3A_765 : i32
      %jit3A_767 = arith.constant 1 : i32
      %select_n3A_768 = arith.select %eq3A_766, %jit3A_767, %jit3A_764 : i32
      %rem3A_769 = arith.remsi %get3A_763, %select_n3A_768 : i32
      %ne3A_770 = arith.constant 0 : i32
      %ne3A_771 = arith.cmpi ne, %rem3A_769, %ne3A_770 : i32
      %lt3A_772 = arith.constant 0 : i32
      %lt3A_773 = arith.cmpi slt, %rem3A_769, %lt3A_772 : i32
      %lt3A_774 = arith.constant 0 : i32
      %lt3A_775 = arith.cmpi slt, %select_n3A_768, %lt3A_774 : i32
      %ne3A_776 = arith.xori %lt3A_773, %lt3A_775 : i1
      %and3A_777 = arith.andi %ne3A_776, %ne3A_771 : i1
      %add3A_778 = arith.addi %rem3A_769, %select_n3A_768 : i32
      %select_n3A_779 = arith.select %and3A_777, %add3A_778, %rem3A_769 : i32
      %iota3A_780 = tpu.iota {dimensions = array<i32: 0>} : vector<8x1xi32>
      %eq3A_781 = vector.broadcast %select_n3A_779 : i32 to vector<8x1xi32>
      %eq3A_782 = arith.cmpi eq, %iota3A_780, %eq3A_781 : vector<8x1xi32>
      %get3A_783 = arith.constant 20 : index
      %get3A_784 = arith.constant 0 : index
      %get3A_785 = arith.constant 0 : index
      %get3A_786 = vector.load %arg7[%get3A_783, %get3A_784, %get3A_785] : memref<32x8x128xf32, #tpu.memory_space<vmem>>, vector<1x8x128xf32>
      %get3A_787 = vector.shape_cast %get3A_786 : vector<1x8x128xf32> to vector<8x128xf32>
      %jit3A_788 = arith.constant 0.000000e+00 : f32
      %broadcast_in_dim3A_789 = vector.shape_cast %eq3A_782 : vector<8x1xi1> to vector<8x1xi1>
      %broadcast_in_dim3A_790 = vector.broadcast %broadcast_in_dim3A_789 : vector<8x1xi1> to vector<8x128xi1>
      %broadcast_in_dim3A_791 = vector.broadcast %jit3A_788 : f32 to vector<8x128xf32>
      %select_n3A_792 = arith.select %broadcast_in_dim3A_790, %get3A_787, %broadcast_in_dim3A_791 : vector<8x128xi1>, vector<8x128xf32>
      %reduce_sum3A_793 = arith.constant dense<0.000000e+00> : vector<128xf32>
      %reduce_sum3A_794 = vector.multi_reduction <add>, %select_n3A_792, %reduce_sum3A_793 [0] : vector<8x128xf32> to vector<128xf32>
      %get3A_795 = arith.constant 21 : index
      %get3A_796 = arith.constant 0 : index
      %get3A_797 = memref.load %arg1[%get3A_795, %get3A_796] : memref<32x16xi32, #tpu.memory_space<smem>>
      %jit3A_798 = arith.constant 8 : i32
      %eq3A_799 = arith.constant 0 : i32
      %eq3A_800 = arith.cmpi eq, %jit3A_798, %eq3A_799 : i32
      %jit3A_801 = arith.constant 1 : i32
      %select_n3A_802 = arith.select %eq3A_800, %jit3A_801, %jit3A_798 : i32
      %rem3A_803 = arith.remsi %get3A_797, %select_n3A_802 : i32
      %ne3A_804 = arith.constant 0 : i32
      %ne3A_805 = arith.cmpi ne, %rem3A_803, %ne3A_804 : i32
      %lt3A_806 = arith.constant 0 : i32
      %lt3A_807 = arith.cmpi slt, %rem3A_803, %lt3A_806 : i32
      %lt3A_808 = arith.constant 0 : i32
      %lt3A_809 = arith.cmpi slt, %select_n3A_802, %lt3A_808 : i32
      %ne3A_810 = arith.xori %lt3A_807, %lt3A_809 : i1
      %and3A_811 = arith.andi %ne3A_810, %ne3A_805 : i1
      %add3A_812 = arith.addi %rem3A_803, %select_n3A_802 : i32
      %select_n3A_813 = arith.select %and3A_811, %add3A_812, %rem3A_803 : i32
      %iota3A_814 = tpu.iota {dimensions = array<i32: 0>} : vector<8x1xi32>
      %eq3A_815 = vector.broadcast %select_n3A_813 : i32 to vector<8x1xi32>
      %eq3A_816 = arith.cmpi eq, %iota3A_814, %eq3A_815 : vector<8x1xi32>
      %get3A_817 = arith.constant 21 : index
      %get3A_818 = arith.constant 0 : index
      %get3A_819 = arith.constant 0 : index
      %get3A_820 = vector.load %arg7[%get3A_817, %get3A_818, %get3A_819] : memref<32x8x128xf32, #tpu.memory_space<vmem>>, vector<1x8x128xf32>
      %get3A_821 = vector.shape_cast %get3A_820 : vector<1x8x128xf32> to vector<8x128xf32>
      %jit3A_822 = arith.constant 0.000000e+00 : f32
      %broadcast_in_dim3A_823 = vector.shape_cast %eq3A_816 : vector<8x1xi1> to vector<8x1xi1>
      %broadcast_in_dim3A_824 = vector.broadcast %broadcast_in_dim3A_823 : vector<8x1xi1> to vector<8x128xi1>
      %broadcast_in_dim3A_825 = vector.broadcast %jit3A_822 : f32 to vector<8x128xf32>
      %select_n3A_826 = arith.select %broadcast_in_dim3A_824, %get3A_821, %broadcast_in_dim3A_825 : vector<8x128xi1>, vector<8x128xf32>
      %reduce_sum3A_827 = arith.constant dense<0.000000e+00> : vector<128xf32>
      %reduce_sum3A_828 = vector.multi_reduction <add>, %select_n3A_826, %reduce_sum3A_827 [0] : vector<8x128xf32> to vector<128xf32>
      %get3A_829 = arith.constant 22 : index
      %get3A_830 = arith.constant 0 : index
      %get3A_831 = memref.load %arg1[%get3A_829, %get3A_830] : memref<32x16xi32, #tpu.memory_space<smem>>
      %jit3A_832 = arith.constant 8 : i32
      %eq3A_833 = arith.constant 0 : i32
      %eq3A_834 = arith.cmpi eq, %jit3A_832, %eq3A_833 : i32
      %jit3A_835 = arith.constant 1 : i32
      %select_n3A_836 = arith.select %eq3A_834, %jit3A_835, %jit3A_832 : i32
      %rem3A_837 = arith.remsi %get3A_831, %select_n3A_836 : i32
      %ne3A_838 = arith.constant 0 : i32
      %ne3A_839 = arith.cmpi ne, %rem3A_837, %ne3A_838 : i32
      %lt3A_840 = arith.constant 0 : i32
      %lt3A_841 = arith.cmpi slt, %rem3A_837, %lt3A_840 : i32
      %lt3A_842 = arith.constant 0 : i32
      %lt3A_843 = arith.cmpi slt, %select_n3A_836, %lt3A_842 : i32
      %ne3A_844 = arith.xori %lt3A_841, %lt3A_843 : i1
      %and3A_845 = arith.andi %ne3A_844, %ne3A_839 : i1
      %add3A_846 = arith.addi %rem3A_837, %select_n3A_836 : i32
      %select_n3A_847 = arith.select %and3A_845, %add3A_846, %rem3A_837 : i32
      %iota3A_848 = tpu.iota {dimensions = array<i32: 0>} : vector<8x1xi32>
      %eq3A_849 = vector.broadcast %select_n3A_847 : i32 to vector<8x1xi32>
      %eq3A_850 = arith.cmpi eq, %iota3A_848, %eq3A_849 : vector<8x1xi32>
      %get3A_851 = arith.constant 22 : index
      %get3A_852 = arith.constant 0 : index
      %get3A_853 = arith.constant 0 : index
      %get3A_854 = vector.load %arg7[%get3A_851, %get3A_852, %get3A_853] : memref<32x8x128xf32, #tpu.memory_space<vmem>>, vector<1x8x128xf32>
      %get3A_855 = vector.shape_cast %get3A_854 : vector<1x8x128xf32> to vector<8x128xf32>
      %jit3A_856 = arith.constant 0.000000e+00 : f32
      %broadcast_in_dim3A_857 = vector.shape_cast %eq3A_850 : vector<8x1xi1> to vector<8x1xi1>
      %broadcast_in_dim3A_858 = vector.broadcast %broadcast_in_dim3A_857 : vector<8x1xi1> to vector<8x128xi1>
      %broadcast_in_dim3A_859 = vector.broadcast %jit3A_856 : f32 to vector<8x128xf32>
      %select_n3A_860 = arith.select %broadcast_in_dim3A_858, %get3A_855, %broadcast_in_dim3A_859 : vector<8x128xi1>, vector<8x128xf32>
      %reduce_sum3A_861 = arith.constant dense<0.000000e+00> : vector<128xf32>
      %reduce_sum3A_862 = vector.multi_reduction <add>, %select_n3A_860, %reduce_sum3A_861 [0] : vector<8x128xf32> to vector<128xf32>
      %get3A_863 = arith.constant 23 : index
      %get3A_864 = arith.constant 0 : index
      %get3A_865 = memref.load %arg1[%get3A_863, %get3A_864] : memref<32x16xi32, #tpu.memory_space<smem>>
      %jit3A_866 = arith.constant 8 : i32
      %eq3A_867 = arith.constant 0 : i32
      %eq3A_868 = arith.cmpi eq, %jit3A_866, %eq3A_867 : i32
      %jit3A_869 = arith.constant 1 : i32
      %select_n3A_870 = arith.select %eq3A_868, %jit3A_869, %jit3A_866 : i32
      %rem3A_871 = arith.remsi %get3A_865, %select_n3A_870 : i32
      %ne3A_872 = arith.constant 0 : i32
      %ne3A_873 = arith.cmpi ne, %rem3A_871, %ne3A_872 : i32
      %lt3A_874 = arith.constant 0 : i32
      %lt3A_875 = arith.cmpi slt, %rem3A_871, %lt3A_874 : i32
      %lt3A_876 = arith.constant 0 : i32
      %lt3A_877 = arith.cmpi slt, %select_n3A_870, %lt3A_876 : i32
      %ne3A_878 = arith.xori %lt3A_875, %lt3A_877 : i1
      %and3A_879 = arith.andi %ne3A_878, %ne3A_873 : i1
      %add3A_880 = arith.addi %rem3A_871, %select_n3A_870 : i32
      %select_n3A_881 = arith.select %and3A_879, %add3A_880, %rem3A_871 : i32
      %iota3A_882 = tpu.iota {dimensions = array<i32: 0>} : vector<8x1xi32>
      %eq3A_883 = vector.broadcast %select_n3A_881 : i32 to vector<8x1xi32>
      %eq3A_884 = arith.cmpi eq, %iota3A_882, %eq3A_883 : vector<8x1xi32>
      %get3A_885 = arith.constant 23 : index
      %get3A_886 = arith.constant 0 : index
      %get3A_887 = arith.constant 0 : index
      %get3A_888 = vector.load %arg7[%get3A_885, %get3A_886, %get3A_887] : memref<32x8x128xf32, #tpu.memory_space<vmem>>, vector<1x8x128xf32>
      %get3A_889 = vector.shape_cast %get3A_888 : vector<1x8x128xf32> to vector<8x128xf32>
      %jit3A_890 = arith.constant 0.000000e+00 : f32
      %broadcast_in_dim3A_891 = vector.shape_cast %eq3A_884 : vector<8x1xi1> to vector<8x1xi1>
      %broadcast_in_dim3A_892 = vector.broadcast %broadcast_in_dim3A_891 : vector<8x1xi1> to vector<8x128xi1>
      %broadcast_in_dim3A_893 = vector.broadcast %jit3A_890 : f32 to vector<8x128xf32>
      %select_n3A_894 = arith.select %broadcast_in_dim3A_892, %get3A_889, %broadcast_in_dim3A_893 : vector<8x128xi1>, vector<8x128xf32>
      %reduce_sum3A_895 = arith.constant dense<0.000000e+00> : vector<128xf32>
      %reduce_sum3A_896 = vector.multi_reduction <add>, %select_n3A_894, %reduce_sum3A_895 [0] : vector<8x128xf32> to vector<128xf32>
      %get3A_897 = arith.constant 24 : index
      %get3A_898 = arith.constant 0 : index
      %get3A_899 = memref.load %arg1[%get3A_897, %get3A_898] : memref<32x16xi32, #tpu.memory_space<smem>>
      %jit3A_900 = arith.constant 8 : i32
      %eq3A_901 = arith.constant 0 : i32
      %eq3A_902 = arith.cmpi eq, %jit3A_900, %eq3A_901 : i32
      %jit3A_903 = arith.constant 1 : i32
      %select_n3A_904 = arith.select %eq3A_902, %jit3A_903, %jit3A_900 : i32
      %rem3A_905 = arith.remsi %get3A_899, %select_n3A_904 : i32
      %ne3A_906 = arith.constant 0 : i32
      %ne3A_907 = arith.cmpi ne, %rem3A_905, %ne3A_906 : i32
      %lt3A_908 = arith.constant 0 : i32
      %lt3A_909 = arith.cmpi slt, %rem3A_905, %lt3A_908 : i32
      %lt3A_910 = arith.constant 0 : i32
      %lt3A_911 = arith.cmpi slt, %select_n3A_904, %lt3A_910 : i32
      %ne3A_912 = arith.xori %lt3A_909, %lt3A_911 : i1
      %and3A_913 = arith.andi %ne3A_912, %ne3A_907 : i1
      %add3A_914 = arith.addi %rem3A_905, %select_n3A_904 : i32
      %select_n3A_915 = arith.select %and3A_913, %add3A_914, %rem3A_905 : i32
      %iota3A_916 = tpu.iota {dimensions = array<i32: 0>} : vector<8x1xi32>
      %eq3A_917 = vector.broadcast %select_n3A_915 : i32 to vector<8x1xi32>
      %eq3A_918 = arith.cmpi eq, %iota3A_916, %eq3A_917 : vector<8x1xi32>
      %get3A_919 = arith.constant 24 : index
      %get3A_920 = arith.constant 0 : index
      %get3A_921 = arith.constant 0 : index
      %get3A_922 = vector.load %arg7[%get3A_919, %get3A_920, %get3A_921] : memref<32x8x128xf32, #tpu.memory_space<vmem>>, vector<1x8x128xf32>
      %get3A_923 = vector.shape_cast %get3A_922 : vector<1x8x128xf32> to vector<8x128xf32>
      %jit3A_924 = arith.constant 0.000000e+00 : f32
      %broadcast_in_dim3A_925 = vector.shape_cast %eq3A_918 : vector<8x1xi1> to vector<8x1xi1>
      %broadcast_in_dim3A_926 = vector.broadcast %broadcast_in_dim3A_925 : vector<8x1xi1> to vector<8x128xi1>
      %broadcast_in_dim3A_927 = vector.broadcast %jit3A_924 : f32 to vector<8x128xf32>
      %select_n3A_928 = arith.select %broadcast_in_dim3A_926, %get3A_923, %broadcast_in_dim3A_927 : vector<8x128xi1>, vector<8x128xf32>
      %reduce_sum3A_929 = arith.constant dense<0.000000e+00> : vector<128xf32>
      %reduce_sum3A_930 = vector.multi_reduction <add>, %select_n3A_928, %reduce_sum3A_929 [0] : vector<8x128xf32> to vector<128xf32>
      %get3A_931 = arith.constant 25 : index
      %get3A_932 = arith.constant 0 : index
      %get3A_933 = memref.load %arg1[%get3A_931, %get3A_932] : memref<32x16xi32, #tpu.memory_space<smem>>
      %jit3A_934 = arith.constant 8 : i32
      %eq3A_935 = arith.constant 0 : i32
      %eq3A_936 = arith.cmpi eq, %jit3A_934, %eq3A_935 : i32
      %jit3A_937 = arith.constant 1 : i32
      %select_n3A_938 = arith.select %eq3A_936, %jit3A_937, %jit3A_934 : i32
      %rem3A_939 = arith.remsi %get3A_933, %select_n3A_938 : i32
      %ne3A_940 = arith.constant 0 : i32
      %ne3A_941 = arith.cmpi ne, %rem3A_939, %ne3A_940 : i32
      %lt3A_942 = arith.constant 0 : i32
      %lt3A_943 = arith.cmpi slt, %rem3A_939, %lt3A_942 : i32
      %lt3A_944 = arith.constant 0 : i32
      %lt3A_945 = arith.cmpi slt, %select_n3A_938, %lt3A_944 : i32
      %ne3A_946 = arith.xori %lt3A_943, %lt3A_945 : i1
      %and3A_947 = arith.andi %ne3A_946, %ne3A_941 : i1
      %add3A_948 = arith.addi %rem3A_939, %select_n3A_938 : i32
      %select_n3A_949 = arith.select %and3A_947, %add3A_948, %rem3A_939 : i32
      %iota3A_950 = tpu.iota {dimensions = array<i32: 0>} : vector<8x1xi32>
      %eq3A_951 = vector.broadcast %select_n3A_949 : i32 to vector<8x1xi32>
      %eq3A_952 = arith.cmpi eq, %iota3A_950, %eq3A_951 : vector<8x1xi32>
      %get3A_953 = arith.constant 25 : index
      %get3A_954 = arith.constant 0 : index
      %get3A_955 = arith.constant 0 : index
      %get3A_956 = vector.load %arg7[%get3A_953, %get3A_954, %get3A_955] : memref<32x8x128xf32, #tpu.memory_space<vmem>>, vector<1x8x128xf32>
      %get3A_957 = vector.shape_cast %get3A_956 : vector<1x8x128xf32> to vector<8x128xf32>
      %jit3A_958 = arith.constant 0.000000e+00 : f32
      %broadcast_in_dim3A_959 = vector.shape_cast %eq3A_952 : vector<8x1xi1> to vector<8x1xi1>
      %broadcast_in_dim3A_960 = vector.broadcast %broadcast_in_dim3A_959 : vector<8x1xi1> to vector<8x128xi1>
      %broadcast_in_dim3A_961 = vector.broadcast %jit3A_958 : f32 to vector<8x128xf32>
      %select_n3A_962 = arith.select %broadcast_in_dim3A_960, %get3A_957, %broadcast_in_dim3A_961 : vector<8x128xi1>, vector<8x128xf32>
      %reduce_sum3A_963 = arith.constant dense<0.000000e+00> : vector<128xf32>
      %reduce_sum3A_964 = vector.multi_reduction <add>, %select_n3A_962, %reduce_sum3A_963 [0] : vector<8x128xf32> to vector<128xf32>
      %get3A_965 = arith.constant 26 : index
      %get3A_966 = arith.constant 0 : index
      %get3A_967 = memref.load %arg1[%get3A_965, %get3A_966] : memref<32x16xi32, #tpu.memory_space<smem>>
      %jit3A_968 = arith.constant 8 : i32
      %eq3A_969 = arith.constant 0 : i32
      %eq3A_970 = arith.cmpi eq, %jit3A_968, %eq3A_969 : i32
      %jit3A_971 = arith.constant 1 : i32
      %select_n3A_972 = arith.select %eq3A_970, %jit3A_971, %jit3A_968 : i32
      %rem3A_973 = arith.remsi %get3A_967, %select_n3A_972 : i32
      %ne3A_974 = arith.constant 0 : i32
      %ne3A_975 = arith.cmpi ne, %rem3A_973, %ne3A_974 : i32
      %lt3A_976 = arith.constant 0 : i32
      %lt3A_977 = arith.cmpi slt, %rem3A_973, %lt3A_976 : i32
      %lt3A_978 = arith.constant 0 : i32
      %lt3A_979 = arith.cmpi slt, %select_n3A_972, %lt3A_978 : i32
      %ne3A_980 = arith.xori %lt3A_977, %lt3A_979 : i1
      %and3A_981 = arith.andi %ne3A_980, %ne3A_975 : i1
      %add3A_982 = arith.addi %rem3A_973, %select_n3A_972 : i32
      %select_n3A_983 = arith.select %and3A_981, %add3A_982, %rem3A_973 : i32
      %iota3A_984 = tpu.iota {dimensions = array<i32: 0>} : vector<8x1xi32>
      %eq3A_985 = vector.broadcast %select_n3A_983 : i32 to vector<8x1xi32>
      %eq3A_986 = arith.cmpi eq, %iota3A_984, %eq3A_985 : vector<8x1xi32>
      %get3A_987 = arith.constant 26 : index
      %get3A_988 = arith.constant 0 : index
      %get3A_989 = arith.constant 0 : index
      %get3A_990 = vector.load %arg7[%get3A_987, %get3A_988, %get3A_989] : memref<32x8x128xf32, #tpu.memory_space<vmem>>, vector<1x8x128xf32>
      %get3A_991 = vector.shape_cast %get3A_990 : vector<1x8x128xf32> to vector<8x128xf32>
      %jit3A_992 = arith.constant 0.000000e+00 : f32
      %broadcast_in_dim3A_993 = vector.shape_cast %eq3A_986 : vector<8x1xi1> to vector<8x1xi1>
      %broadcast_in_dim3A_994 = vector.broadcast %broadcast_in_dim3A_993 : vector<8x1xi1> to vector<8x128xi1>
      %broadcast_in_dim3A_995 = vector.broadcast %jit3A_992 : f32 to vector<8x128xf32>
      %select_n3A_996 = arith.select %broadcast_in_dim3A_994, %get3A_991, %broadcast_in_dim3A_995 : vector<8x128xi1>, vector<8x128xf32>
      %reduce_sum3A_997 = arith.constant dense<0.000000e+00> : vector<128xf32>
      %reduce_sum3A_998 = vector.multi_reduction <add>, %select_n3A_996, %reduce_sum3A_997 [0] : vector<8x128xf32> to vector<128xf32>
      %get3A_999 = arith.constant 27 : index
      %get3A_1000 = arith.constant 0 : index
      %get3A_1001 = memref.load %arg1[%get3A_999, %get3A_1000] : memref<32x16xi32, #tpu.memory_space<smem>>
      %jit3A_1002 = arith.constant 8 : i32
      %eq3A_1003 = arith.constant 0 : i32
      %eq3A_1004 = arith.cmpi eq, %jit3A_1002, %eq3A_1003 : i32
      %jit3A_1005 = arith.constant 1 : i32
      %select_n3A_1006 = arith.select %eq3A_1004, %jit3A_1005, %jit3A_1002 : i32
      %rem3A_1007 = arith.remsi %get3A_1001, %select_n3A_1006 : i32
      %ne3A_1008 = arith.constant 0 : i32
      %ne3A_1009 = arith.cmpi ne, %rem3A_1007, %ne3A_1008 : i32
      %lt3A_1010 = arith.constant 0 : i32
      %lt3A_1011 = arith.cmpi slt, %rem3A_1007, %lt3A_1010 : i32
      %lt3A_1012 = arith.constant 0 : i32
      %lt3A_1013 = arith.cmpi slt, %select_n3A_1006, %lt3A_1012 : i32
      %ne3A_1014 = arith.xori %lt3A_1011, %lt3A_1013 : i1
      %and3A_1015 = arith.andi %ne3A_1014, %ne3A_1009 : i1
      %add3A_1016 = arith.addi %rem3A_1007, %select_n3A_1006 : i32
      %select_n3A_1017 = arith.select %and3A_1015, %add3A_1016, %rem3A_1007 : i32
      %iota3A_1018 = tpu.iota {dimensions = array<i32: 0>} : vector<8x1xi32>
      %eq3A_1019 = vector.broadcast %select_n3A_1017 : i32 to vector<8x1xi32>
      %eq3A_1020 = arith.cmpi eq, %iota3A_1018, %eq3A_1019 : vector<8x1xi32>
      %get3A_1021 = arith.constant 27 : index
      %get3A_1022 = arith.constant 0 : index
      %get3A_1023 = arith.constant 0 : index
      %get3A_1024 = vector.load %arg7[%get3A_1021, %get3A_1022, %get3A_1023] : memref<32x8x128xf32, #tpu.memory_space<vmem>>, vector<1x8x128xf32>
      %get3A_1025 = vector.shape_cast %get3A_1024 : vector<1x8x128xf32> to vector<8x128xf32>
      %jit3A_1026 = arith.constant 0.000000e+00 : f32
      %broadcast_in_dim3A_1027 = vector.shape_cast %eq3A_1020 : vector<8x1xi1> to vector<8x1xi1>
      %broadcast_in_dim3A_1028 = vector.broadcast %broadcast_in_dim3A_1027 : vector<8x1xi1> to vector<8x128xi1>
      %broadcast_in_dim3A_1029 = vector.broadcast %jit3A_1026 : f32 to vector<8x128xf32>
      %select_n3A_1030 = arith.select %broadcast_in_dim3A_1028, %get3A_1025, %broadcast_in_dim3A_1029 : vector<8x128xi1>, vector<8x128xf32>
      %reduce_sum3A_1031 = arith.constant dense<0.000000e+00> : vector<128xf32>
      %reduce_sum3A_1032 = vector.multi_reduction <add>, %select_n3A_1030, %reduce_sum3A_1031 [0] : vector<8x128xf32> to vector<128xf32>
      %get3A_1033 = arith.constant 28 : index
      %get3A_1034 = arith.constant 0 : index
      %get3A_1035 = memref.load %arg1[%get3A_1033, %get3A_1034] : memref<32x16xi32, #tpu.memory_space<smem>>
      %jit3A_1036 = arith.constant 8 : i32
      %eq3A_1037 = arith.constant 0 : i32
      %eq3A_1038 = arith.cmpi eq, %jit3A_1036, %eq3A_1037 : i32
      %jit3A_1039 = arith.constant 1 : i32
      %select_n3A_1040 = arith.select %eq3A_1038, %jit3A_1039, %jit3A_1036 : i32
      %rem3A_1041 = arith.remsi %get3A_1035, %select_n3A_1040 : i32
      %ne3A_1042 = arith.constant 0 : i32
      %ne3A_1043 = arith.cmpi ne, %rem3A_1041, %ne3A_1042 : i32
      %lt3A_1044 = arith.constant 0 : i32
      %lt3A_1045 = arith.cmpi slt, %rem3A_1041, %lt3A_1044 : i32
      %lt3A_1046 = arith.constant 0 : i32
      %lt3A_1047 = arith.cmpi slt, %select_n3A_1040, %lt3A_1046 : i32
      %ne3A_1048 = arith.xori %lt3A_1045, %lt3A_1047 : i1
      %and3A_1049 = arith.andi %ne3A_1048, %ne3A_1043 : i1
      %add3A_1050 = arith.addi %rem3A_1041, %select_n3A_1040 : i32
      %select_n3A_1051 = arith.select %and3A_1049, %add3A_1050, %rem3A_1041 : i32
      %iota3A_1052 = tpu.iota {dimensions = array<i32: 0>} : vector<8x1xi32>
      %eq3A_1053 = vector.broadcast %select_n3A_1051 : i32 to vector<8x1xi32>
      %eq3A_1054 = arith.cmpi eq, %iota3A_1052, %eq3A_1053 : vector<8x1xi32>
      %get3A_1055 = arith.constant 28 : index
      %get3A_1056 = arith.constant 0 : index
      %get3A_1057 = arith.constant 0 : index
      %get3A_1058 = vector.load %arg7[%get3A_1055, %get3A_1056, %get3A_1057] : memref<32x8x128xf32, #tpu.memory_space<vmem>>, vector<1x8x128xf32>
      %get3A_1059 = vector.shape_cast %get3A_1058 : vector<1x8x128xf32> to vector<8x128xf32>
      %jit3A_1060 = arith.constant 0.000000e+00 : f32
      %broadcast_in_dim3A_1061 = vector.shape_cast %eq3A_1054 : vector<8x1xi1> to vector<8x1xi1>
      %broadcast_in_dim3A_1062 = vector.broadcast %broadcast_in_dim3A_1061 : vector<8x1xi1> to vector<8x128xi1>
      %broadcast_in_dim3A_1063 = vector.broadcast %jit3A_1060 : f32 to vector<8x128xf32>
      %select_n3A_1064 = arith.select %broadcast_in_dim3A_1062, %get3A_1059, %broadcast_in_dim3A_1063 : vector<8x128xi1>, vector<8x128xf32>
      %reduce_sum3A_1065 = arith.constant dense<0.000000e+00> : vector<128xf32>
      %reduce_sum3A_1066 = vector.multi_reduction <add>, %select_n3A_1064, %reduce_sum3A_1065 [0] : vector<8x128xf32> to vector<128xf32>
      %get3A_1067 = arith.constant 29 : index
      %get3A_1068 = arith.constant 0 : index
      %get3A_1069 = memref.load %arg1[%get3A_1067, %get3A_1068] : memref<32x16xi32, #tpu.memory_space<smem>>
      %jit3A_1070 = arith.constant 8 : i32
      %eq3A_1071 = arith.constant 0 : i32
      %eq3A_1072 = arith.cmpi eq, %jit3A_1070, %eq3A_1071 : i32
      %jit3A_1073 = arith.constant 1 : i32
      %select_n3A_1074 = arith.select %eq3A_1072, %jit3A_1073, %jit3A_1070 : i32
      %rem3A_1075 = arith.remsi %get3A_1069, %select_n3A_1074 : i32
      %ne3A_1076 = arith.constant 0 : i32
      %ne3A_1077 = arith.cmpi ne, %rem3A_1075, %ne3A_1076 : i32
      %lt3A_1078 = arith.constant 0 : i32
      %lt3A_1079 = arith.cmpi slt, %rem3A_1075, %lt3A_1078 : i32
      %lt3A_1080 = arith.constant 0 : i32
      %lt3A_1081 = arith.cmpi slt, %select_n3A_1074, %lt3A_1080 : i32
      %ne3A_1082 = arith.xori %lt3A_1079, %lt3A_1081 : i1
      %and3A_1083 = arith.andi %ne3A_1082, %ne3A_1077 : i1
      %add3A_1084 = arith.addi %rem3A_1075, %select_n3A_1074 : i32
      %select_n3A_1085 = arith.select %and3A_1083, %add3A_1084, %rem3A_1075 : i32
      %iota3A_1086 = tpu.iota {dimensions = array<i32: 0>} : vector<8x1xi32>
      %eq3A_1087 = vector.broadcast %select_n3A_1085 : i32 to vector<8x1xi32>
      %eq3A_1088 = arith.cmpi eq, %iota3A_1086, %eq3A_1087 : vector<8x1xi32>
      %get3A_1089 = arith.constant 29 : index
      %get3A_1090 = arith.constant 0 : index
      %get3A_1091 = arith.constant 0 : index
      %get3A_1092 = vector.load %arg7[%get3A_1089, %get3A_1090, %get3A_1091] : memref<32x8x128xf32, #tpu.memory_space<vmem>>, vector<1x8x128xf32>
      %get3A_1093 = vector.shape_cast %get3A_1092 : vector<1x8x128xf32> to vector<8x128xf32>
      %jit3A_1094 = arith.constant 0.000000e+00 : f32
      %broadcast_in_dim3A_1095 = vector.shape_cast %eq3A_1088 : vector<8x1xi1> to vector<8x1xi1>
      %broadcast_in_dim3A_1096 = vector.broadcast %broadcast_in_dim3A_1095 : vector<8x1xi1> to vector<8x128xi1>
      %broadcast_in_dim3A_1097 = vector.broadcast %jit3A_1094 : f32 to vector<8x128xf32>
      %select_n3A_1098 = arith.select %broadcast_in_dim3A_1096, %get3A_1093, %broadcast_in_dim3A_1097 : vector<8x128xi1>, vector<8x128xf32>
      %reduce_sum3A_1099 = arith.constant dense<0.000000e+00> : vector<128xf32>
      %reduce_sum3A_1100 = vector.multi_reduction <add>, %select_n3A_1098, %reduce_sum3A_1099 [0] : vector<8x128xf32> to vector<128xf32>
      %get3A_1101 = arith.constant 30 : index
      %get3A_1102 = arith.constant 0 : index
      %get3A_1103 = memref.load %arg1[%get3A_1101, %get3A_1102] : memref<32x16xi32, #tpu.memory_space<smem>>
      %jit3A_1104 = arith.constant 8 : i32
      %eq3A_1105 = arith.constant 0 : i32
      %eq3A_1106 = arith.cmpi eq, %jit3A_1104, %eq3A_1105 : i32
      %jit3A_1107 = arith.constant 1 : i32
      %select_n3A_1108 = arith.select %eq3A_1106, %jit3A_1107, %jit3A_1104 : i32
      %rem3A_1109 = arith.remsi %get3A_1103, %select_n3A_1108 : i32
      %ne3A_1110 = arith.constant 0 : i32
      %ne3A_1111 = arith.cmpi ne, %rem3A_1109, %ne3A_1110 : i32
      %lt3A_1112 = arith.constant 0 : i32
      %lt3A_1113 = arith.cmpi slt, %rem3A_1109, %lt3A_1112 : i32
      %lt3A_1114 = arith.constant 0 : i32
      %lt3A_1115 = arith.cmpi slt, %select_n3A_1108, %lt3A_1114 : i32
      %ne3A_1116 = arith.xori %lt3A_1113, %lt3A_1115 : i1
      %and3A_1117 = arith.andi %ne3A_1116, %ne3A_1111 : i1
      %add3A_1118 = arith.addi %rem3A_1109, %select_n3A_1108 : i32
      %select_n3A_1119 = arith.select %and3A_1117, %add3A_1118, %rem3A_1109 : i32
      %iota3A_1120 = tpu.iota {dimensions = array<i32: 0>} : vector<8x1xi32>
      %eq3A_1121 = vector.broadcast %select_n3A_1119 : i32 to vector<8x1xi32>
      %eq3A_1122 = arith.cmpi eq, %iota3A_1120, %eq3A_1121 : vector<8x1xi32>
      %get3A_1123 = arith.constant 30 : index
      %get3A_1124 = arith.constant 0 : index
      %get3A_1125 = arith.constant 0 : index
      %get3A_1126 = vector.load %arg7[%get3A_1123, %get3A_1124, %get3A_1125] : memref<32x8x128xf32, #tpu.memory_space<vmem>>, vector<1x8x128xf32>
      %get3A_1127 = vector.shape_cast %get3A_1126 : vector<1x8x128xf32> to vector<8x128xf32>
      %jit3A_1128 = arith.constant 0.000000e+00 : f32
      %broadcast_in_dim3A_1129 = vector.shape_cast %eq3A_1122 : vector<8x1xi1> to vector<8x1xi1>
      %broadcast_in_dim3A_1130 = vector.broadcast %broadcast_in_dim3A_1129 : vector<8x1xi1> to vector<8x128xi1>
      %broadcast_in_dim3A_1131 = vector.broadcast %jit3A_1128 : f32 to vector<8x128xf32>
      %select_n3A_1132 = arith.select %broadcast_in_dim3A_1130, %get3A_1127, %broadcast_in_dim3A_1131 : vector<8x128xi1>, vector<8x128xf32>
      %reduce_sum3A_1133 = arith.constant dense<0.000000e+00> : vector<128xf32>
      %reduce_sum3A_1134 = vector.multi_reduction <add>, %select_n3A_1132, %reduce_sum3A_1133 [0] : vector<8x128xf32> to vector<128xf32>
      %get3A_1135 = arith.constant 31 : index
      %get3A_1136 = arith.constant 0 : index
      %get3A_1137 = memref.load %arg1[%get3A_1135, %get3A_1136] : memref<32x16xi32, #tpu.memory_space<smem>>
      %jit3A_1138 = arith.constant 8 : i32
      %eq3A_1139 = arith.constant 0 : i32
      %eq3A_1140 = arith.cmpi eq, %jit3A_1138, %eq3A_1139 : i32
      %jit3A_1141 = arith.constant 1 : i32
      %select_n3A_1142 = arith.select %eq3A_1140, %jit3A_1141, %jit3A_1138 : i32
      %rem3A_1143 = arith.remsi %get3A_1137, %select_n3A_1142 : i32
      %ne3A_1144 = arith.constant 0 : i32
      %ne3A_1145 = arith.cmpi ne, %rem3A_1143, %ne3A_1144 : i32
      %lt3A_1146 = arith.constant 0 : i32
      %lt3A_1147 = arith.cmpi slt, %rem3A_1143, %lt3A_1146 : i32
      %lt3A_1148 = arith.constant 0 : i32
      %lt3A_1149 = arith.cmpi slt, %select_n3A_1142, %lt3A_1148 : i32
      %ne3A_1150 = arith.xori %lt3A_1147, %lt3A_1149 : i1
      %and3A_1151 = arith.andi %ne3A_1150, %ne3A_1145 : i1
      %add3A_1152 = arith.addi %rem3A_1143, %select_n3A_1142 : i32
      %select_n3A_1153 = arith.select %and3A_1151, %add3A_1152, %rem3A_1143 : i32
      %iota3A_1154 = tpu.iota {dimensions = array<i32: 0>} : vector<8x1xi32>
      %eq3A_1155 = vector.broadcast %select_n3A_1153 : i32 to vector<8x1xi32>
      %eq3A_1156 = arith.cmpi eq, %iota3A_1154, %eq3A_1155 : vector<8x1xi32>
      %get3A_1157 = arith.constant 31 : index
      %get3A_1158 = arith.constant 0 : index
      %get3A_1159 = arith.constant 0 : index
      %get3A_1160 = vector.load %arg7[%get3A_1157, %get3A_1158, %get3A_1159] : memref<32x8x128xf32, #tpu.memory_space<vmem>>, vector<1x8x128xf32>
      %get3A_1161 = vector.shape_cast %get3A_1160 : vector<1x8x128xf32> to vector<8x128xf32>
      %jit3A_1162 = arith.constant 0.000000e+00 : f32
      %broadcast_in_dim3A_1163 = vector.shape_cast %eq3A_1156 : vector<8x1xi1> to vector<8x1xi1>
      %broadcast_in_dim3A_1164 = vector.broadcast %broadcast_in_dim3A_1163 : vector<8x1xi1> to vector<8x128xi1>
      %broadcast_in_dim3A_1165 = vector.broadcast %jit3A_1162 : f32 to vector<8x128xf32>
      %select_n3A_1166 = arith.select %broadcast_in_dim3A_1164, %get3A_1161, %broadcast_in_dim3A_1165 : vector<8x128xi1>, vector<8x128xf32>
      %reduce_sum3A_1167 = arith.constant dense<0.000000e+00> : vector<128xf32>
      %reduce_sum3A_1168 = vector.multi_reduction <add>, %select_n3A_1166, %reduce_sum3A_1167 [0] : vector<8x128xf32> to vector<128xf32>
      %stack3A = vector.shape_cast %reduce_sum3A_114 : vector<128xf32> to vector<1x128xf32>
      %stack3A_1169 = vector.shape_cast %reduce_sum3A_148 : vector<128xf32> to vector<1x128xf32>
      %stack3A_1170 = vector.shape_cast %reduce_sum3A_182 : vector<128xf32> to vector<1x128xf32>
      %stack3A_1171 = vector.shape_cast %reduce_sum3A_216 : vector<128xf32> to vector<1x128xf32>
      %stack3A_1172 = vector.shape_cast %reduce_sum3A_250 : vector<128xf32> to vector<1x128xf32>
      %stack3A_1173 = vector.shape_cast %reduce_sum3A_284 : vector<128xf32> to vector<1x128xf32>
      %stack3A_1174 = vector.shape_cast %reduce_sum3A_318 : vector<128xf32> to vector<1x128xf32>
      %stack3A_1175 = vector.shape_cast %reduce_sum3A_352 : vector<128xf32> to vector<1x128xf32>
      %stack3A_1176 = vector.shape_cast %reduce_sum3A_386 : vector<128xf32> to vector<1x128xf32>
      %stack3A_1177 = vector.shape_cast %reduce_sum3A_420 : vector<128xf32> to vector<1x128xf32>
      %stack3A_1178 = vector.shape_cast %reduce_sum3A_454 : vector<128xf32> to vector<1x128xf32>
      %stack3A_1179 = vector.shape_cast %reduce_sum3A_488 : vector<128xf32> to vector<1x128xf32>
      %stack3A_1180 = vector.shape_cast %reduce_sum3A_522 : vector<128xf32> to vector<1x128xf32>
      %stack3A_1181 = vector.shape_cast %reduce_sum3A_556 : vector<128xf32> to vector<1x128xf32>
      %stack3A_1182 = vector.shape_cast %reduce_sum3A_590 : vector<128xf32> to vector<1x128xf32>
      %stack3A_1183 = vector.shape_cast %reduce_sum3A_624 : vector<128xf32> to vector<1x128xf32>
      %stack3A_1184 = vector.shape_cast %reduce_sum3A_658 : vector<128xf32> to vector<1x128xf32>
      %stack3A_1185 = vector.shape_cast %reduce_sum3A_692 : vector<128xf32> to vector<1x128xf32>
      %stack3A_1186 = vector.shape_cast %reduce_sum3A_726 : vector<128xf32> to vector<1x128xf32>
      %stack3A_1187 = vector.shape_cast %reduce_sum3A_760 : vector<128xf32> to vector<1x128xf32>
      %stack3A_1188 = vector.shape_cast %reduce_sum3A_794 : vector<128xf32> to vector<1x128xf32>
      %stack3A_1189 = vector.shape_cast %reduce_sum3A_828 : vector<128xf32> to vector<1x128xf32>
      %stack3A_1190 = vector.shape_cast %reduce_sum3A_862 : vector<128xf32> to vector<1x128xf32>
      %stack3A_1191 = vector.shape_cast %reduce_sum3A_896 : vector<128xf32> to vector<1x128xf32>
      %stack3A_1192 = vector.shape_cast %reduce_sum3A_930 : vector<128xf32> to vector<1x128xf32>
      %stack3A_1193 = vector.shape_cast %reduce_sum3A_964 : vector<128xf32> to vector<1x128xf32>
      %stack3A_1194 = vector.shape_cast %reduce_sum3A_998 : vector<128xf32> to vector<1x128xf32>
      %stack3A_1195 = vector.shape_cast %reduce_sum3A_1032 : vector<128xf32> to vector<1x128xf32>
      %stack3A_1196 = vector.shape_cast %reduce_sum3A_1066 : vector<128xf32> to vector<1x128xf32>
      %stack3A_1197 = vector.shape_cast %reduce_sum3A_1100 : vector<128xf32> to vector<1x128xf32>
      %stack3A_1198 = vector.shape_cast %reduce_sum3A_1134 : vector<128xf32> to vector<1x128xf32>
      %stack3A_1199 = vector.shape_cast %reduce_sum3A_1168 : vector<128xf32> to vector<1x128xf32>
      %stack3A_1200 = tpu.concatenate %stack3A, %stack3A_1169, %stack3A_1170, %stack3A_1171, %stack3A_1172, %stack3A_1173, %stack3A_1174, %stack3A_1175, %stack3A_1176, %stack3A_1177, %stack3A_1178, %stack3A_1179, %stack3A_1180, %stack3A_1181, %stack3A_1182, %stack3A_1183, %stack3A_1184, %stack3A_1185, %stack3A_1186, %stack3A_1187, %stack3A_1188, %stack3A_1189, %stack3A_1190, %stack3A_1191, %stack3A_1192, %stack3A_1193, %stack3A_1194, %stack3A_1195, %stack3A_1196, %stack3A_1197, %stack3A_1198, %stack3A_1199 in 0 : vector<1x128xf32>, vector<1x128xf32>, vector<1x128xf32>, vector<1x128xf32>, vector<1x128xf32>, vector<1x128xf32>, vector<1x128xf32>, vector<1x128xf32>, vector<1x128xf32>, vector<1x128xf32>, vector<1x128xf32>, vector<1x128xf32>, vector<1x128xf32>, vector<1x128xf32>, vector<1x128xf32>, vector<1x128xf32>, vector<1x128xf32>, vector<1x128xf32>, vector<1x128xf32>, vector<1x128xf32>, vector<1x128xf32>, vector<1x128xf32>, vector<1x128xf32>, vector<1x128xf32>, vector<1x128xf32>, vector<1x128xf32>, vector<1x128xf32>, vector<1x128xf32>, vector<1x128xf32>, vector<1x128xf32>, vector<1x128xf32>, vector<1x128xf32> -> vector<32x128xf32>
      %mul3A_1201 = arith.mulf %stack3A_1200, %stack3A_1200 : vector<32x128xf32>
      %reduce_sum3A_1202 = arith.constant dense<0.000000e+00> : vector<32xf32>
      %reduce_sum3A_1203 = vector.multi_reduction <add>, %mul3A_1201, %reduce_sum3A_1202 [1] : vector<32x128xf32> to vector<32xf32>
      %broadcast_in_dim3A_1204 = vector.shape_cast %reduce_sum3A_1203 : vector<32xf32> to vector<32x1xf32>
      %sqrt3A = math.sqrt %broadcast_in_dim3A_1204 : vector<32x1xf32>
      %max3A_1205 = arith.constant 9.99999996E-13 : f32
      %max3A_1206 = vector.broadcast %max3A_1205 : f32 to vector<32x1xf32>
      %max3A_1207 = arith.maximumf %sqrt3A, %max3A_1206 : vector<32x1xf32>
      %div3A = vector.broadcast %max3A_1207 : vector<32x1xf32> to vector<32x128xf32>
      %div3A_1208 = arith.divf %stack3A_1200, %div3A : vector<32x128xf32>
      %mul3A_1209 = arith.mulf %div3A_1208, %div3A_1208 : vector<32x128xf32>
      %reduce_sum3A_1210 = arith.constant dense<0.000000e+00> : vector<32xf32>
      %reduce_sum3A_1211 = vector.multi_reduction <add>, %mul3A_1209, %reduce_sum3A_1210 [1] : vector<32x128xf32> to vector<32xf32>
      %reshape3A = vector.shape_cast %reduce_sum3A_1211 : vector<32xf32> to vector<1x32xf32>
      %swap3A_1212 = arith.constant 0 : index
      %swap3A_1213 = arith.constant 0 : index
      %swap3A_1214 = vector.load %arg11[%swap3A_1212, %swap3A_1213] : memref<1x32xf32, #tpu.memory_space<vmem>>, vector<1x32xf32>
      tpu.vector_store %arg11[%swap3A_1212, %swap3A_1213], %reshape3A {strides = array<i32>} : memref<1x32xf32, #tpu.memory_space<vmem>>, vector<1x32xf32>,
      %transpose3A = tpu.transpose %div3A_1208, [1, 0] : vector<32x128xf32> -> vector<128x32xf32>
      %mul3A_1215 = arith.constant 1.000000e+01 : f32
      %mul3A_1216 = vector.broadcast %mul3A_1215 : f32 to vector<128x32xf32>
      %mul3A_1217 = arith.mulf %transpose3A, %mul3A_1216 : vector<128x32xf32>
      %swap3A_1218 = arith.constant 0 : index
      %swap3A_1219 = arith.constant 0 : index
      %swap3A_1220 = vector.load %arg6[%swap3A_1218, %swap3A_1219] : memref<128x32xf32, #tpu.memory_space<vmem>>, vector<128x32xf32>
      tpu.vector_store %arg6[%swap3A_1218, %swap3A_1219], %mul3A_1217 {strides = array<i32>} : memref<128x32xf32, #tpu.memory_space<vmem>>, vector<128x32xf32>,
    } else {
    }
    %get3A = arith.constant 0 : index
    %get3A_2 = arith.constant 0 : index
    %get3A_3 = arith.constant 0 : index
    %get3A_4 = vector.load %arg2[%get3A, %get3A_2, %get3A_3] : memref<1x4096x128xf32, #tpu.memory_space<vmem>>, vector<1x4096x128xf32>
    %get3A_5 = vector.shape_cast %get3A_4 : vector<1x4096x128xf32> to vector<4096x128xf32>
    %mul3A = arith.mulf %get3A_5, %get3A_5 : vector<4096x128xf32>
    %reduce_sum3A = arith.constant dense<0.000000e+00> : vector<4096xf32>
    %reduce_sum3A_6 = vector.multi_reduction <add>, %mul3A, %reduce_sum3A [1] : vector<4096x128xf32> to vector<4096xf32>
    %broadcast_in_dim3A = vector.shape_cast %reduce_sum3A_6 : vector<4096xf32> to vector<4096x1xf32>
    %max3A = arith.constant 1.000000e-24 : f32
    %max3A_7 = vector.broadcast %max3A : f32 to vector<4096x1xf32>
    %max3A_8 = arith.maximumf %broadcast_in_dim3A, %max3A_7 : vector<4096x1xf32>
    %rsqrt3A = math.rsqrt %max3A_8 : vector<4096x1xf32>
    %mul3A_9 = vector.broadcast %rsqrt3A : vector<4096x1xf32> to vector<4096x128xf32>
    %mul3A_10 = arith.mulf %get3A_5, %mul3A_9 : vector<4096x128xf32>
    %get3A_11 = arith.constant 0 : index
    %get3A_12 = arith.constant 0 : index
    %get3A_13 = vector.load %arg6[%get3A_11, %get3A_12] : memref<128x32xf32, #tpu.memory_space<vmem>>, vector<128x32xf32>
    %dot_general3A = arith.constant dense<0.000000e+00> : vector<4096x32xf32>
    %dot_general3A_14 = tpu.matmul %mul3A_10, %get3A_13, %dot_general3A {dimension_numbers = #tpu.dot_dimension_numbers<[1], [0], [0], [1], [0, 0, 1, 1], [], []>, transpose_lhs_hint = false} : vector<4096x128xf32>, vector<128x32xf32>, vector<4096x32xf32> -> vector<4096x32xf32>
    %exp3A = math.exp %dot_general3A_14 : vector<4096x32xf32>
    %get3A_15 = arith.constant 0 : index
    %get3A_16 = arith.constant 0 : index
    %get3A_17 = vector.load %arg12[%get3A_15, %get3A_16] : memref<1x4096xf32, #tpu.memory_space<vmem>>, vector<1x4096xf32>
    %dot_general3A_18 = arith.constant dense<0.000000e+00> : vector<1x32xf32>
    %dot_general3A_19 = tpu.matmul %get3A_17, %exp3A, %dot_general3A_18 {dimension_numbers = #tpu.dot_dimension_numbers<[1], [0], [0], [1], [0, 0, 1, 1], [], []>, transpose_lhs_hint = false} : vector<1x4096xf32>, vector<4096x32xf32>, vector<1x32xf32> -> vector<1x32xf32>
    %get3A_20 = arith.constant 0 : index
    %get3A_21 = arith.constant 0 : index
    %get3A_22 = vector.load %arg12[%get3A_20, %get3A_21] : memref<1x4096xf32, #tpu.memory_space<vmem>>, vector<1x4096xf32>
    %get3A_23 = arith.constant 0 : index
    %get3A_24 = arith.constant 0 : index
    %get3A_25 = vector.load %arg10[%get3A_23, %get3A_24] : memref<4096x32xf32, #tpu.memory_space<vmem>>, vector<4096x32xf32>
    %mul3A_26 = arith.mulf %exp3A, %get3A_25 : vector<4096x32xf32>
    %dot_general3A_27 = arith.constant dense<0.000000e+00> : vector<1x32xf32>
    %dot_general3A_28 = tpu.matmul %get3A_22, %mul3A_26, %dot_general3A_27 {dimension_numbers = #tpu.dot_dimension_numbers<[1], [0], [0], [1], [0, 0, 1, 1], [], []>, transpose_lhs_hint = false} : vector<1x4096xf32>, vector<4096x32xf32>, vector<1x32xf32> -> vector<1x32xf32>
    %get3A_29 = arith.constant 0 : index
    %get3A_30 = arith.constant 0 : index
    %get3A_31 = vector.load %arg8[%get3A_29, %get3A_30] : memref<1x32xf32, #tpu.memory_space<vmem>>, vector<1x32xf32>
    %add3A = arith.addf %get3A_31, %dot_general3A_19 : vector<1x32xf32>
    %swap3A = arith.constant 0 : index
    %swap3A_32 = arith.constant 0 : index
    %swap3A_33 = vector.load %arg8[%swap3A, %swap3A_32] : memref<1x32xf32, #tpu.memory_space<vmem>>, vector<1x32xf32>
    tpu.vector_store %arg8[%swap3A, %swap3A_32], %add3A {strides = array<i32>} : memref<1x32xf32, #tpu.memory_space<vmem>>, vector<1x32xf32>,
    %iota3A = tpu.iota {dimensions = array<i32: 1>} : vector<1x32xi32>
    %eq3A_34 = vector.broadcast %arg0 : i32 to vector<1x32xi32>
    %eq3A_35 = arith.cmpi eq, %iota3A, %eq3A_34 : vector<1x32xi32>
    %get3A_36 = arith.constant 0 : index
    %get3A_37 = arith.constant 0 : index
    %get3A_38 = vector.load %arg9[%get3A_36, %get3A_37] : memref<1x32xf32, #tpu.memory_space<vmem>>, vector<1x32xf32>
    %sub3A = arith.subf %dot_general3A_19, %dot_general3A_28 : vector<1x32xf32>
    %jit3A = arith.constant 0.000000e+00 : f32
    %broadcast_in_dim3A_39 = vector.broadcast %jit3A : f32 to vector<1x32xf32>
    %select_n3A = arith.select %eq3A_35, %sub3A, %broadcast_in_dim3A_39 : vector<1x32xi1>, vector<1x32xf32>
    %add3A_40 = arith.addf %get3A_38, %select_n3A : vector<1x32xf32>
    %swap3A_41 = arith.constant 0 : index
    %swap3A_42 = arith.constant 0 : index
    %swap3A_43 = vector.load %arg9[%swap3A_41, %swap3A_42] : memref<1x32xf32, #tpu.memory_space<vmem>>, vector<1x32xf32>
    tpu.vector_store %arg9[%swap3A_41, %swap3A_42], %add3A_40 {strides = array<i32>} : memref<1x32xf32, #tpu.memory_space<vmem>>, vector<1x32xf32>,
    %eq3A_44 = arith.constant 31 : i32
    %eq3A_45 = arith.cmpi eq, %arg0, %eq3A_44 : i32
    %convert_element_type3A_46 = arith.extui %eq3A_45 : i1 to i32
    %cond3A_47 = arith.constant 0 : i32
    %cond3A_48 = arith.cmpi ne, %convert_element_type3A_46, %cond3A_47 : i32
    scf.if %cond3A_48 {
      %get3A_49 = arith.constant 0 : index
      %get3A_50 = arith.constant 0 : index
      %get3A_51 = vector.load %arg8[%get3A_49, %get3A_50] : memref<1x32xf32, #tpu.memory_space<vmem>>, vector<1x32xf32>
      %get3A_52 = vector.shape_cast %get3A_51 : vector<1x32xf32> to vector<32xf32>
      %get3A_53 = arith.constant 0 : index
      %get3A_54 = arith.constant 0 : index
      %get3A_55 = vector.load %arg9[%get3A_53, %get3A_54] : memref<1x32xf32, #tpu.memory_space<vmem>>, vector<1x32xf32>
      %get3A_56 = vector.shape_cast %get3A_55 : vector<1x32xf32> to vector<32xf32>
      %sub3A_57 = arith.subf %get3A_52, %get3A_56 : vector<32xf32>
      %get3A_58 = arith.constant 0 : index
      %get3A_59 = arith.constant 0 : index
      %get3A_60 = vector.load %arg11[%get3A_58, %get3A_59] : memref<1x32xf32, #tpu.memory_space<vmem>>, vector<1x32xf32>
      %get3A_61 = vector.shape_cast %get3A_60 : vector<1x32xf32> to vector<32xf32>
      %sub3A_62 = arith.constant 0.000000e+00 : f32
      %sub3A_63 = vector.broadcast %sub3A_62 : f32 to vector<32xf32>
      %sub3A_64 = arith.subf %get3A_61, %sub3A_63 : vector<32xf32>
      %div3A = arith.constant 1.000000e-01 : f32
      %div3A_65 = vector.broadcast %div3A : f32 to vector<32xf32>
      %div3A_66 = arith.divf %sub3A_64, %div3A_65 : vector<32xf32>
      %exp3A_67 = math.exp %div3A_66 : vector<32xf32>
      %add3A_68 = arith.addf %exp3A_67, %sub3A_57 : vector<32xf32>
      %log3A = math.log %add3A_68 : vector<32xf32>
      %sub3A_69 = arith.subf %div3A_66, %log3A : vector<32xf32>
      %neg3A = arith.constant 0.000000e+00 : f32
      %neg3A_70 = vector.broadcast %neg3A : f32 to vector<32xf32>
      %neg3A_71 = arith.subf %neg3A_70, %sub3A_69 : vector<32xf32>
      %reduce_sum3A_72 = vector.shape_cast %neg3A_71 : vector<32xf32> to vector<1x32xf32>
      %reduce_sum3A_73 = arith.constant dense<0.000000e+00> : vector<1xf32>
      %reduce_sum3A_74 = vector.multi_reduction <add>, %reduce_sum3A_72, %reduce_sum3A_73 [1] : vector<1x32xf32> to vector<1xf32>
      %reduce_sum3A_75 = vector.shape_cast %reduce_sum3A_74 : vector<1xf32> to vector<1x1xf32>
      %reduce_sum3A_76 = vector.extract %reduce_sum3A_75[0, 0] : f32 from vector<1x1xf32>
      %div3A_77 = arith.constant 3.200000e+01 : f32
      %div3A_78 = arith.divf %reduce_sum3A_76, %div3A_77 : f32
      %mul3A_79 = arith.constant 1.000000e+00 : f32
      %mul3A_80 = arith.mulf %div3A_78, %mul3A_79 : f32
      %reshape3A = vector.broadcast %mul3A_80 : f32 to vector<1x1xf32>
      %swap3A_81 = arith.constant 0 : index
      %swap3A_82 = arith.constant 0 : index
      %swap3A_83 = vector.load %arg5[%swap3A_81, %swap3A_82] : memref<1x1xf32, #tpu.memory_space<vmem>>, vector<1x1xf32>
      tpu.vector_store %arg5[%swap3A_81, %swap3A_82], %reshape3A {strides = array<i32>} : memref<1x1xf32, #tpu.memory_space<vmem>>, vector<1x1xf32>,
    } else {
    }
    return
  }
  func.func @transform_0(%arg0: i32) -> (i32, i32) {
    %c0_i32 = arith.constant 0 : i32
    %c0_i32_0 = arith.constant 0 : i32
    %c0_i32_1 = arith.constant 0 : i32
    return %c0_i32, %c0_i32_0 : i32, i32
  }
  func.func @transform_1(%arg0: i32) -> (i32, i32, i32) {
    %c0_i32 = arith.constant 0 : i32
    %c0_i32_0 = arith.constant 0 : i32
    %c0_i32_1 = arith.constant 0 : i32
    return %arg0, %c0_i32, %c0_i32_0 : i32, i32, i32
  }
  func.func @transform_3(%arg0: i32) -> (i32, i32) {
    %c0_i32 = arith.constant 0 : i32
    %c0_i32_0 = arith.constant 0 : i32
    %c0_i32_1 = arith.constant 0 : i32
    return %c0_i32, %c0_i32_0 : i32, i32
  }
  func.func @transform_4(%arg0: i32) -> (i32, i32) {
    %c0_i32 = arith.constant 0 : i32
    %c0_i32_0 = arith.constant 0 : i32
    %c0_i32_1 = arith.constant 0 : i32
    return %c0_i32, %c0_i32_0 : i32, i32
  }
}

</mosaic_0001>

<sc_bundles>
// kernel: kernel.4.cloned.1.call-start
scs
__scs_entry_jumppad:
0x0: {  	(pc) =	sbr.rel $0x88, $3  }
0x1: {  	(tag) =	ssettag $0x0;
	lr =	simm.s32 $0x1  }
0x2: {  	[smem:$0x3F9E] =	sst lr;
	_ =	strace $0xD0000000  }
0x3: {  	_ = 	snop  }
0x4: {  	_ = 	snop  }
0x5: {  	_ = 	snop  }
0x6: {  	_ = 	snop  }
0x7: {  	_ = 	snop  }
__scs_overlays_trampoline_lowered:
0x8: {  	[smem:$0x3FAD] =	sst s0  }
0x9: {  	[smem:$0x3FAE] =	sst s1  }
0xa: {  	[smem:$0x3FAF] =	sst s2  }
0xb: {  	[smem:$0x3FB0] =	sst s3  }
0xc: {  	[smem:$0x3FB1] =	sst s4  }
0xd: {  	[smem:$0x3FB2] =	sst s5  }
0xe: {  	[smem:$0x3FB3] =	sst s6  }
0xf: {  	[smem:$0x3FB4] =	sst s7  }
0x10: {  	[smem:$0x3FB5] =	sst s8  }
0x11: {  	[smem:$0x3FB6] =	sst s9;
	s0 =	simm.s32 @!p0 $0x0  }
0x12: {  	s1 =	sld [smem:$0x3F9C];
	s0 =	simm.s32 @p0 $0x1  }
0x13: {  	[smem:$0x3FB7] =	sst s0;
	s0 =	simm.s32 @!p1 $0x0  }
0x14: {  	s2 =	sld [smem:$0x3F9B];
	s0 =	simm.s32 @p1 $0x1  }
0x15: {  	[smem:$0x3FB8] =	sst s0;
	s0 =	simm.s32 @!p2 $0x0  }
0x16: {  	s3 =	sld [smem:$0x3FDB];
	s0 =	simm.s32 @p2 $0x1  }
0x17: {  	s4 =	simm.s32 $0x1BF5;
	[smem:$0x3FBA] =	sst s0  }
0x18: {  	s0 =	sld [smem:$0x3F9D];
	_ =	swait.ge [sflag:s4], $0x0  }
0x19: {  	s7 =	sld [smem:$0x3F9E]  }
0x1a: {  	s8 =	sadd.s32 $0xFFFFE003, lr  }
0x1b: {  	s9 =	sadd.s32 $0xFFFFFEF7, lr;
	s5 =	simm.s32 $0xFFFFFFFF;
	p2 =	slt.u32 s8, $0xFFFFF086  }
0x1c: {  	p1 =	slt.u32 s9, $0xF7A;
	s5 =	simm.s32 @!p2 $0x0  }
0x1d: {  	s5 =	simm.s32 @p1 $0x1;
	p0 =	seq.s32 s7, s2  }
0x1e: {  	s7 =	smul.u32 @!p0 $0xF7A, s2;
	p2 =	seq.s32 @!p0 s5, $0x0  }
0x1f: {  	s9 =	smul.u32 $0xF7A, s1;
	s8 =	simm.s32 @!p0 $0x1BF5;
	p2 =	por !p2, p0  }
0x20: {  	[sflag:s8] =	ssyncset.s32 @!p0 $0xFFFFF086;
	s6 =	sadd.s32 @!p0 s3, s7;
	s7 =	simm.s32 @!p0 $0x108  }
0x21: {  	s3 =	sadd.s32 s3, s9;
	s6 =	sadd.s32 @!p0 $0x88, s6;
	s7 =	simm.s32 @p2 $0x1082  }
0x22: {  	[simem:s7], [sflag:s8] =	dma.local @!p0 [hbm:s6], $0xF7A  }
0x23: {  	s9 =	sor.u32 $0xD0000000, s2;
	s6 =	simm.s32 $0x108;
	_ =	swait.ge @!p0 [sflag:s8], $0x0  }
0x24: {  	s3 =	sadd.s32 $0x88, s3;
	s6 =	simm.s32 @!p1 $0x1082;
	[sflag:s4] =	ssyncset.s32 $0xFFFFF086  }
0x25: {  	[simem:s6], [sflag:s4] =	dma.local [hbm:s3], $0xF7A  }
0x26: {  	[smem:$0x3F9E] =	sst s1;
	(tag) =	ssettag s2;
	_ =	strace s9  }
0x27: {  	s1 =	sld [smem:$0x3FAE]  }
0x28: {  	s2 =	sld [smem:$0x3FAF]  }
0x29: {  	s4 =	sld [smem:$0x3FB1]  }
0x2a: {  	p0 =	seq.s32 s5, $0x0;
	s5 =	sld [smem:$0x3FB2]  }
0x2b: {  	s6 =	sld [smem:$0x3FB3]  }
0x2c: {  	s7 =	sld [smem:$0x3FB4]  }
0x2d: {  	s3 =	simm.s32 $0x108;
	s8 =	sld [smem:$0x3FB5]  }
0x2e: {  	s3 =	simm.s32 @!p0 $0x1082;
	s9 =	sld [smem:$0x3FB6]  }
0x2f: {  	lr =	sadd.s32 s0, s3;
	s0 =	sld [smem:$0x3FAD]  }
0x30: {  	s3 =	sld [smem:$0x3FB0]  }
0x31: {  	[smem:$0x3FB9] =	sst s10  }
0x32: {  	s10 =	sld [smem:$0x3FB7];
	_ =	sdelay $0x3  }
0x33: {  	p0 =	seq.s32 s10, $0x1;
	s10 =	sld [smem:$0x3FB9];
	_ =	sdelay $0x3  }
0x34: {  	[smem:$0x3FB9] =	sst s10  }
0x35: {  	s10 =	sld [smem:$0x3FB8];
	_ =	sdelay $0x3  }
0x36: {  	p1 =	seq.s32 s10, $0x1;
	s10 =	sld [smem:$0x3FB9];
	_ =	sdelay $0x3  }
0x37: {  	[smem:$0x3FB9] =	sst s10  }
0x38: {  	s10 =	sld [smem:$0x3FBA]  }
0x39: {  	_ = 	snop;
	(pc) =	sbr.ind lr, $3  }
0x3a: {  	_ = 	snop  }
0x3b: {  	_ = 	snop  }
0x3c: {  	p2 =	seq.s32 s10, $0x1;
	s10 =	sld [smem:$0x3FB9]  }
0x3d: {  	_ =	shalt  }
0x3e: {  	_ =	shalt  }
0x3f: {  	_ =	shalt  }
0x40: {  	_ =	shalt  }
0x41: {  	_ =	shalt  }
0x42: {  	_ =	shalt  }
0x43: {  	_ =	shalt  }
0x44: {  	_ =	shalt  }
0x45: {  	_ =	shalt  }
0x46: {  	_ =	shalt  }
0x47: {  	_ =	shalt  }
0x48: {  	_ =	shalt  }
0x49: {  	_ =	shalt  }
0x4a: {  	_ =	shalt  }
0x4b: {  	_ =	shalt  }
0x4c: {  	_ =	shalt  }
0x4d: {  	_ =	shalt  }
0x4e: {  	_ =	shalt  }
0x4f: {  	_ =	shalt  }
0x50: {  	_ =	shalt  }
0x51: {  	_ =	shalt  }
0x52: {  	_ =	shalt  }
0x53: {  	_ =	shalt  }
0x54: {  	_ =	shalt  }
0x55: {  	_ =	shalt  }
0x56: {  	_ =	shalt  }
0x57: {  	_ =	shalt  }
0x58: {  	_ =	shalt  }
0x59: {  	_ =	shalt  }
0x5a: {  	_ =	shalt  }
0x5b: {  	_ =	shalt  }
0x5c: {  	_ =	shalt  }
0x5d: {  	_ =	shalt  }
0x5e: {  	_ =	shalt  }
0x5f: {  	_ =	shalt  }
0x60: {  	_ =	shalt  }
0x61: {  	_ =	shalt  }
0x62: {  	_ =	shalt  }
0x63: {  	_ =	shalt  }
0x64: {  	_ =	shalt  }
0x65: {  	_ =	shalt  }
0x66: {  	_ =	shalt  }
0x67: {  	_ =	shalt  }
0x68: {  	_ =	shalt  }
0x69: {  	_ =	shalt  }
0x6a: {  	_ =	shalt  }
0x6b: {  	_ =	shalt  }
0x6c: {  	_ =	shalt  }
0x6d: {  	_ =	shalt  }
0x6e: {  	_ =	shalt  }
0x6f: {  	_ =	shalt  }
0x70: {  	_ =	shalt  }
0x71: {  	_ =	shalt  }
0x72: {  	_ =	shalt  }
0x73: {  	_ =	shalt  }
0x74: {  	_ =	shalt  }
0x75: {  	_ =	shalt  }
0x76: {  	_ =	shalt  }
0x77: {  	_ =	shalt  }
0x78: {  	_ =	shalt  }
0x79: {  	_ =	shalt  }
0x7a: {  	_ =	shalt  }
0x7b: {  	_ =	shalt  }
0x7c: {  	_ =	shalt  }
0x7d: {  	_ =	shalt  }
0x7e: {  	_ =	shalt  }
0x7f: {  	_ =	shalt  }
0x80: {  	_ =	shalt  }
0x81: {  	_ =	shalt  }
0x82: {  	_ =	shalt  }
0x83: {  	_ =	shalt  }
0x84: {  	_ =	shalt  }
0x85: {  	_ =	shalt  }
0x86: {  	_ =	shalt  }
0x87: {  	_ =	shalt  }
.Lfunc_end0:
.L_simem_size_0:
called_computation_lowered:
.L_overlay_start_0:
0x88: {  	s2 =	sld [smem:$0x3FD9]  }
0x89: {  	s3 =	sld [smem:$0x3FFE];
	_ =	sdelay $0x1  }
0x8a: {  	s1 =	srdreg.scid  }
0x8b: {  	s0 =	sand.u32 $0x1, s1  }
0x8c: {  	s16 =	sshll.u32 s0, $0xA;
	s2 =	sadd.s32 s3, s2  }
0x8d: {  	s2 =	sadd.s32 s2, s16  }
0x8e: {  	[smem:$0x3FC5] =	sst s2  }
0x8f: {  	_ = 	snop  }
0x90: {  	(tm) =	ssettm $0x1  }
0x91: {  	s17 =	sld [smem:$0x3FFB];
	_ =	sdelay $0x3  }
0x92: {  	_ =	strace s17  }
0x93: {  	s2 =	sld [smem:$0x3FFC];
	_ =	sdelay $0x3  }
0x94: {  	_ =	strace s2  }
0x95: {  	s2 =	sld [smem:$0x3FFD];
	_ =	sdelay $0x3  }
0x96: {  	_ =	strace s2  }
0x97: {  	_ =	strace $0x8FFFFFFF  }
0x98: {  	s18 =	sld [smem:$0x3FDB];
	_ =	sdelay $0x1  }
0x99: {  	s19 =	simm.s32 $_scs_section_size  }
0x9a: {  	s4 =	simm.s32 $_size__tile_overlayer_lowered;
	s5 =	simm.s32 $_tile_overlayer_lowered  }
0x9b: {  	s22 =	simm.s32 $0x1BFF;
	s21 =	sshll.u32 s5, $0x1;
	s2 =	sadd.s32 s19, s18  }
0x9c: {  	s6 =	simm.s32 $0x0;
	s20 =	sshll.u32 s4, $0x1;
	s4 =	sadd.s32 s21, s2  }
0x9d: {  	[timem:s6], [sflag:s22] =	dma.local [hbm:s4], s20  }
0x9e: {  	_ =	swait.ge [sflag:s22], s20  }
0x9f: {  	s3 =	ssub.s32 $0x0, s20;
	[sflag:s22] =	ssyncset.done $0x0  }
0xa0: {  	[sflag:s22] =	ssyncadd.s32 s3;
	_ =	sdelay $0x1  }
0xa1: {  	s23 =	simm.s32 $0x1B8B  }
0xa2: {  	_ =	swait.ge [sflag:s23], $0x1  }
0xa3: {  	[sflag:s23] =	ssyncset.done $0x0  }
0xa4: {  	s25 =	simm.s32 $0x1B8E;
	s24 =	sld [smem:$0x3FFE];
	[sflag:s23] =	ssyncadd.s32 $0xFFFFFFFF  }
0xa5: {  	s26 =	simm.s32 $execute0_lowered;
	[smem:$0x3FD2] =	sst s25  }
0xa6: {  	s4 =	sshll.u32 s26, $0x1;
	_ =	strace $0x80000046;
	[dreg:$0x1] =	wrdreg $0xFFFFFFFF  }
0xa7: {  	s28 =	simm.s32 $_size_execute0_lowered;
	s2 =	sadd.s32 s2, s4;
	[dreg:$0x0] =	wrdreg $0x0  }
0xa8: {  	s4 =	sshll.u32 s28, $0x1;
	[dreg:$0x2] =	wrdreg s2  }
0xa9: {  	[dreg:$0x3] =	wrdreg s4  }
0xaa: {  	[dreg:$0x4] =	wrdreg $0xC0  }
0xab: {  	_ =	task [dreg:s6], $0x5FFFF  }
0xac: {  	[dreg:$0x1] =	wrdreg $0xFFFFFFFF  }
0xad: {  	[dreg:$0x0] =	wrdreg $0x60  }
0xae: {  	[dreg:$0x2] =	wrdreg s24  }
0xaf: {  	[dreg:$0x3] =	wrdreg $0x9  }
0xb0: {  	_ =	task.clear_ibuf [dreg:s6], $0x4FFFF;
	_ =	strace $0x90000046  }
0xb1: {  	s29 =	simm.s32 $0x9;
	_ =	strace $0x80000048  }
0xb2: {  	_ =	swait.ge [sflag:s29], $0x1  }
0xb3: {  	[sflag:s29] =	ssyncadd.s32 $0xFFFFFFFF  }
0xb4: {  	_ =	strace $0x90000048  }
0xb5: {  	_ =	sfence  }
0xb6: {  	s30 =	sld [smem:$0x0];
	_ =	sdelay $0x2  }
0xb7: {  	s31 =	sshll.u32 s1, $0xD;
	s1 =	sshrl.u32 s1, $0x2  }
0xb8: {  	s3 =	sand.u32 $0x4000, s31;
	s1 =	sadd.s32 s1, s30  }
0xb9: {  	s0 =	sor.u32 s3, s0;
	s1 =	sshll.u32 s1, $0x11  }
0xba: {  	s0 =	sor.u32 s1, s0  }
0xbb: {  	s0 =	sadd.s32 $0x8F2B, s0  }
0xbc: {  	[sflag:s0] =	ssyncadd.remote.s32 $0x1  }
0xbd: {  	_ =	sfence.sel $0xFFFF  }
0xbe: {  	[dreg:$0x0] =	wrdreg $0xFFFFFFFF;
	(pc) =	sbr.abs _section_cstart, $3  }
0xbf: {  	[dreg:$0x1] =	wrdreg $0xFFFFFFFF  }
0xc0: {  	_ =	task.clear_ibuf [dreg:s6], $0x2FFFF;
	_ =	strace $0x9FFFFFFF  }
0xc1: {  	(tm) =	ssettm $0x7FFFFFFF  }
tec
execute0_lowered:
.L_overlay_start_1:
0x0: {  	(tag) =	ssettag $0x1  }
0x1: {  	v0 =	vimm.s32 $0xFEDCBA98;
	v1 =	vimm.s32 $0x76543210  }
0x2: {  	s3 =	rddreg [dreg:$0x0];
	s0 =	stileid.u32;
	v2 =	vimm.s32 $0xBA98FEDC;
	v3 =	vimm.s32 $0x32107654;
	v4 =	vimm.s32 $0xDCFE98BA  }
0x3: {  	s1 =	simm.s32 $0x0;
	s2 =	srdreg.scid;
	v5 =	vimm.s32 $0x54761032;
	v6 =	vimm.s32 $0xEFCDAB89;
	v7 =	vimm.s32 $0x67452301;
	s8 =	simm.s32 $0x1  }
0x4: {  	s9 =	simm.s32 $0x1000;
	s10 =	simm.s32 $0x0;
	v0 =	vunpack.c.l.s4.s8 v0;
	v1 =	vunpack.c.l.s4.s8 v1;
	[smem:$0x7FF] =	sst s1;
	v2 =	vunpack.c.l.s4.s8 v2  }
0x5: {  	s4 =	sshll.u32 s0, $0x8;
	s5 =	sand.u32 $0x1, s2;
	v3 =	vunpack.c.l.s4.s8 v3;
	v4 =	vunpack.c.l.s4.s8 v4;
	s2 =	rddreg [dreg:$0x1];
	v5 =	vunpack.c.l.s4.s8 v5  }
0x6: {  	s6 =	sshrl.u32 s0, $0x2;
	v6 =	vunpack.c.l.s4.s8 v6;
	v7 =	vunpack.c.l.s4.s8 v7;
	s4 =	sand.u32 $0x300, s4;
	s7 =	sshll.u32 s5, $0x7;
	v0 =	vunpack.c.0.s8.s32 v0  }
0x7: {  	s29 =	sshll.u32 s6, $0xF;
	s6 =	sshll.u32 s6, $0xA;
	s5 =	ssub.s32 $0x2, s5;
	v2 =	vunpack.c.0.s8.s32 v2;
	v3 =	vunpack.c.0.s8.s32 v3;
	v4 =	vunpack.c.0.s8.s32 v4  }
0x8: {  	_ =	strace $0x80000047;
	s4 =	sor.u32 s7, s4;
	v5 =	vunpack.c.0.s8.s32 v5;
	v6 =	vunpack.c.0.s8.s32 v6;
	v7 =	vunpack.c.0.s8.s32 v7;
	s31 =	sshrl.u32 s5, $0x1  }
0x9: {  	v1 =	vunpack.c.0.s8.s32 v1;
	s7 =	sor.u32 s29, s4;
	s4 =	sor.u32 s6, s4;
	s5 =	ssub.s32 s5, s31;
	v2 =	vcombine.low v3, v2  }
0xa: {  	s30 =	sshrl.u32 s7, $0x3;
	s4 =	sshrl.u32 s4, $0x3;
	v3 =	vcombine.low v5, v4;
	v4 =	vand.u32 $0xF, v0;
	v5 =	vcombine.low v7, v6;
	s5 =	smax.u32 s5, $0x1  }
0xb: {  	s7 =	simm.s32 $0x400;
	v0 =	vlaneseq.u32;
	s6 =	sadd.s32 s30, s3;
	s4 =	sadd.s32 s4, s3;
	v1 =	vcombine.low v4, v1  }
0xc: {  	s3 =	sadd.s32 $0x600, s6;
	s4 =	sadd.s32 $0x4600, s4;
	s6 =	simm.s32 $0x80;
	v2 =	vand.u32 $0xF, v2;
	v3 =	vand.u32 $0xF, v3;
	v4 =	vand.u32 $0xF, v5  }
.LBB2_1:
0xd: {  	[tilespmem:s1], [sflag:$0x1] =	stream.strided.gather [hbm4b:s3+s6], $0x1000, s7, s6, $0x38;
	[tilespmem:$0x1080] =	vst v63  }
0xe: {  	_ =	swait.ge [sflag:s8], $0x1000  }
0xf: {  	[sflag:s8] =	ssyncset.done $0x0  }
0x10: {  	[sflag:s8] =	ssyncadd.s32 $0xFFFFF000  }
0x11: {  	v5 =	vld [tilespmem:s1+$0x0];
	_ =	sdelay $0x3  }
0x12: {  	v6 =	vimm.f32 $-Inf  }
0x13: {  	v7 =	vimm.s32 $0x0;
	s11 =	simm.s32 $0x10;
	v8 =	vor.u32 s1, v0;
	s12 =	simm.s32 $0x10;
	vm0 =	vgt.f32 v5, v6  }
.LBB2_2:
0x14: {  	p0 =	sne.s32 s11, $0xFF0;
	v6 =	vsel vm0, v5, v6;
	v5 =	vld [tilespmem:s12+$0x0];
	v7 =	vsel vm0, v8, v7;
	s13 =	smov.u32 s11;
	s11 =	sadd.s32 $0x10, s11  }
.Ltmp0:
0x15: {  	(pc) =	sbr.rel @p0 .LBB2_2-.Ltmp0, $2  }
0x16: {  	_ =	sdelay $0x2  }
0x17: {  	s12 =	sadd.s32 $0x10, s12;
	v8 =	vor.u32 s13, v0;
	vm0 =	vgt.f32 v5, v6  }
0x18: {  	v5 =	vsel vm0, v5, v6;
	v6 =	vsel vm0, v8, v7  }
0x19: {  	v7 =	vperm.xlane v5, v1;
	v8 =	vperm.xlane v6, v1;
	_ =	sdelay $0x1  }
0x1a: {  	vm6 =	veq.f32 v7, v5;
	vm1 =	vlt.s32 v8, v6  }
0x1b: {  	vm2 =	vgt.f32 v7, v5;
	vm0 =	vmand vm6, vm1  }
0x1c: {  	vm0 =	vmor vm2, vm0  }
0x1d: {  	v5 =	vsel vm0, v7, v5;
	v6 =	vsel vm0, v8, v6  }
0x1e: {  	v7 =	vperm.xlane v5, v2;
	v8 =	vperm.xlane v6, v2;
	_ =	sdelay $0x1  }
0x1f: {  	vm7 =	veq.f32 v7, v5;
	vm8 =	vlt.s32 v8, v6  }
0x20: {  	vm9 =	vgt.f32 v7, v5;
	vm0 =	vmand vm7, vm8  }
0x21: {  	vm0 =	vmor vm9, vm0  }
0x22: {  	v5 =	vsel vm0, v7, v5;
	v6 =	vsel vm0, v8, v6  }
0x23: {  	v7 =	vperm.xlane v5, v3;
	v8 =	vperm.xlane v6, v3;
	_ =	sdelay $0x1  }
0x24: {  	vm10 =	veq.f32 v7, v5;
	vm11 =	vlt.s32 v8, v6  }
0x25: {  	vm12 =	vgt.f32 v7, v5;
	vm0 =	vmand vm10, vm11  }
0x26: {  	vm0 =	vmor vm12, vm0  }
0x27: {  	v5 =	vsel vm0, v7, v5;
	v6 =	vsel vm0, v8, v6  }
0x28: {  	v7 =	vperm.xlane v5, v4;
	v8 =	vperm.xlane v6, v4;
	_ =	sdelay $0x1  }
0x29: {  	vm13 =	veq.f32 v7, v5;
	vm14 =	vlt.s32 v8, v6  }
0x2a: {  	vm15 =	vgt.f32 v7, v5;
	vm0 =	vmand vm13, vm14  }
0x2b: {  	s10 =	sadd.s32 $0x1, s10;
	vm0 =	vmor vm15, vm0  }
0x2c: {  	p0 =	sne.s32 s10, s5;
	v5 =	vsel vm0, v8, v6  }
.Ltmp1:
0x2d: {  	[tilespmem:$0x1000] =	vst v5;
	(pc) =	sbr.rel @p0 .LBB2_1-.Ltmp1, $4  }
0x2e: {  	[hbm4b:s4+s1] =	stream.linear.scatter [tilespmem:s9], [sflag:$0x1], $0x80, $0x38;
	[tilespmem:$0x1080] =	vst v63  }
0x2f: {  	_ =	swait.ge [sflag:s8], $0x80  }
0x30: {  	[sflag:s8] =	ssyncset.done $0x0  }
0x31: {  	[sflag:s8] =	ssyncadd.s32 $0xFFFFFF80  }
0x32: {  	_ =	sfence.sel $0x180000  }
0x33: {  	[bflag:$0x0] =	sbarrier.arrive $0xFFFF  }
0x34: {  	p0 =	sne.s32 s0, $0x0;
	_ =	strace $0x90000047  }
0x35: {  	s0 =	sadd.s32 @!p0 $0x100000, s2;
	[bflag:$0x2] =	sbarrier.arrive $0xFFFF  }
0x36: {  	[sflag:s0] =	ssyncadd.tile.s32 @!p0 $0x1;
	_ =	shalt  }
.Lfunc_end2:
_tile_overlayer_lowered:
.L_overlay_start_2:
0x37: {  	(tag) =	ssettag $0x2  }
0x38: {  	s0 =	rddreg [dreg:$0x0];
	s2 =	stileid.u32  }
0x39: {  	s1 =	rddreg [dreg:$0x1];
	p0 =	sne.s32 s2, $0x0  }
0x3a: {  	s3 =	rddreg [dreg:$0x2];
	[bflag:$0x3] =	sbarrier.arrive $0xFFFF;
	s2 =	simm.s32 @!p0 $0x1C01  }
0x3b: {  	[timem:s3], [sflag:s2] =	dma.local @!p0 [hbm:s0], s1  }
0x3c: {  	s0 =	simm.s32 @!p0 $0x1  }
0x3d: {  	_ =	swait.ge @!p0 [sflag:s0], s1  }
0x3e: {  	s1 =	ssub.s32 @!p0 $0x0, s1;
	[sflag:s0] =	ssyncset.done @!p0 $0x0  }
0x3f: {  	[sflag:s0] =	ssyncadd.s32 @!p0 s1  }
0x40: {  	[bflag:$0x3] =	sbarrier.arrive $0xFFFF  }
0x41: {  	_ =	shalt  }

</sc_bundles>
